<compile_context>
chip_gen: v7x
topology: tpu7x:2x2x1
jax: 0.10.2.dev20260603
libtpu: 0.0.44.dev20260713+nightly
codegen_flags: <defaults>
</compile_context>

<pallas_src>
import functools
import math

import jax
import jax.numpy as jnp
from jax import lax
from jax.experimental import pallas as pl
from jax.experimental.pallas import tpu as pltpu
from jax.experimental.pallas import tpu_sc as plsc

D_MODEL = 64
SCALE = math.sqrt(D_MODEL)
NUM_CORES = 2
NUM_SUBCORES = 16
NUM_WORKERS = NUM_CORES * NUM_SUBCORES
ROWS_B = 8


def _unflatten_scale(yf, b, l):
  nb = b // (2 * ROWS_B)
  a = (yf[:, :D_MODEL] * SCALE).reshape(nb, ROWS_B, l, D_MODEL)
  c = (yf[:, D_MODEL:] * SCALE).reshape(nb, ROWS_B, l, D_MODEL)
  return jnp.concatenate([a, c], axis=1).reshape(b, l, D_MODEL)


def _sc_gather(x1, x2, emb, b, l):
  n_half = b * l // 2
  xrows_per_w = b // NUM_WORKERS
  half_w = NUM_WORKERS // 2
  n_pairs = xrows_per_w // 2
  w2 = l - 128
  w2_off = 128 - w2

  mesh = plsc.VectorSubcoreMesh(
      core_axis_name="c", subcore_axis_name="s",
      num_cores=NUM_CORES, num_subcores=NUM_SUBCORES)

  @functools.partial(
      pl.kernel,
      mesh=mesh,
      out_type=jax.ShapeDtypeStruct((n_half, 128), jnp.float32),
      compiler_params=pltpu.CompilerParams(use_tc_tiling_on_sc=False),
      scratch_types=[
          pltpu.VMEM((xrows_per_w, 128), jnp.float32),
          pltpu.VMEM((xrows_per_w, 128), jnp.float32),
          pltpu.VMEM((xrows_per_w, 128), jnp.int32),
          pltpu.VMEM((xrows_per_w, 128), jnp.int32),
          pltpu.VMEM((l, D_MODEL), jnp.float32),
          pltpu.VMEM((l, D_MODEL), jnp.float32),
          pltpu.SemaphoreType.DMA,
          pltpu.SemaphoreType.DMA,
          pltpu.SemaphoreType.DMA,
          pltpu.SemaphoreType.DMA,
      ],
  )
  def k(x1_hbm, x2_hbm, emb_hbm, yf_hbm, v1f, v2f, v1, v2, rows0, rows1,
        g0, g1, s0, s1):
    wid = lax.axis_index("s") * NUM_CORES + lax.axis_index("c")
    xrow0 = wid * xrows_per_w
    rows = (rows0, rows1)
    gsem = (g0, g1)
    ssem = (s0, s1)

    pltpu.sync_copy(x1_hbm.at[pl.ds(xrow0, xrows_per_w)], v1f)
    pltpu.sync_copy(x2_hbm.at[pl.ds(xrow0, xrows_per_w)], v2f)

    @plsc.parallel_loop(0, xrows_per_w * 8, step=1, unroll=4)
    def _(t):
      rr = t // 8
      sl = pl.ds((t % 8) * 16, 16)
      v1[rr, sl] = v1f[rr, sl].astype(jnp.int32)
      v2[rr, sl] = v2f[rr, sl].astype(jnp.int32)

    def gathers(r, bb):
      return [
          pltpu.make_async_copy(
              emb_hbm.at[v1.at[r]],
              rows[bb].at[pl.ds(0, 128)], gsem[bb]),
          pltpu.make_async_copy(
              emb_hbm.at[v2.at[r, pl.ds(w2_off, w2)]],
              rows[bb].at[pl.ds(128, w2)], gsem[bb]),
      ]

    def start_gathers(r, bb):
      for g in gathers(r, bb):
        g.start()

    def wait_gathers(r, bb):
      for g in gathers(r, bb):
        g.wait()

    def store(r, bb):
      rg = xrow0 + r
      blkq = rg // 16
      pos = rg % 16
      col = jnp.where(pos < 8, 0, D_MODEL)
      qrow = blkq * (16 * l // 2) + jnp.where(pos < 8, pos, pos - 8) * l
      return pltpu.make_async_copy(
          rows[bb],
          yf_hbm.at[pl.ds(qrow, l), pl.ds(col, D_MODEL)],
          ssem[bb])

    start_gathers(0, 0)

    def pair_body(i, carry):
      for bb in range(2):
        r = 2 * i + bb
        other = 1 - bb

        if bb == 0:
          @pl.when(i > 0)
          def _():
            store(r - 1, other).wait()
          start_gathers(r + 1, other)
        else:
          store(r - 1, other).wait()
          @pl.when(i < n_pairs - 1)
          def _():
            start_gathers(r + 1, other)

        wait_gathers(r, bb)
        store(r, bb).start()
      return carry

    lax.fori_loop(0, n_pairs, pair_body, 0)
    store(xrows_per_w - 1, 1).wait()

  return k(x1, x2, emb)


@jax.jit
def _embed(x, emb):
  b, l = x.shape
  x1 = x[:, :128].astype(jnp.float32)
  x2 = x[:, l - 128:].astype(jnp.float32)
  yf = _sc_gather(x1, x2, emb, b, l)
  return _unflatten_scale(yf, b, l)


def kernel(x, emb):
  return _embed(x.astype(jnp.int32), emb)

# --- scband reference (transcript-rebuilt; emitter-appended) ---
"""Pipeline reference for scband-embedding-29137058136070 (READ-ONLY COPY).

The authoritative reference and input builder live on the scoring server;
editing this copy changes nothing except your own understanding.
"""

import jax, jax.numpy as jnp
import numpy as np
import math

VOCAB = 1000000
D_MODEL = 64
B = 4096
L = 200

def setup_inputs(seed: int = 0) -> dict:
    key = jax.random.key(seed)
    k1, k2 = jax.random.split(key)
    x = jax.random.randint(k1, (B, L), 0, VOCAB, dtype=jnp.int64 if jax.config.jax_enable_x64 else jnp.int32)
    emb = jax.random.normal(k2, (VOCAB, D_MODEL), dtype=jnp.float32)
    return {"x": x, "emb": emb}

def reference(x, emb):
    # Embedding lookup followed by sqrt(d_model) scaling, as in the torch module.
    out = jnp.take(emb, x, axis=0) * math.sqrt(D_MODEL)
    return out

if __name__ == "__main__":
    import jax
    _d = setup_inputs()
    print(jax.jit(kernel)(*tuple(_d.values())))

</pallas_src>

<mosaic_0001>
#map = affine_map<(d0, d1) -> (0, 0)>
module attributes {stable_mosaic.version = 14 : i64} {
  func.func @k(%arg0: i32, %arg1: i32, %arg2: memref<4096x128xf32, #tpu.memory_space<hbm>>, %arg3: memref<4096x128xf32, #tpu.memory_space<hbm>>, %arg4: memref<1000000x64xf32, #tpu.memory_space<hbm>>, %arg5: memref<409600x128xf32, #tpu.memory_space<hbm>>, %arg6: memref<128x128xf32, #tpu.memory_space<vmem>>, %arg7: memref<128x128xf32, #tpu.memory_space<vmem>>, %arg8: memref<128x128xi32, #tpu.memory_space<vmem>>, %arg9: memref<128x128xi32, #tpu.memory_space<vmem>>, %arg10: memref<200x64xf32, #tpu.memory_space<vmem>>, %arg11: memref<200x64xf32, #tpu.memory_space<vmem>>, %arg12: memref<!tpu.dma_semaphore, #tpu.memory_space<semaphore_mem>>, %arg13: memref<!tpu.dma_semaphore, #tpu.memory_space<semaphore_mem>>, %arg14: memref<!tpu.dma_semaphore, #tpu.memory_space<semaphore_mem>>, %arg15: memref<!tpu.dma_semaphore, #tpu.memory_space<semaphore_mem>>) attributes {dimension_semantics = [#tpu.dimension_semantics<core_parallel>, #tpu.dimension_semantics<subcore_parallel>], iteration_bounds = array<i64: 2, 16>, scalar_prefetch = 0 : i64, scratch_operands = 10 : i64, tpu.core_type = #tpu.core_type<sc_vector_subcore>, window_params = [{transform_indices = #map}, {transform_indices = #map}, {transform_indices = #map}, {transform_indices = #map}]} {
    %mul3A = arith.constant 2 : i32
    %mul3A_0 = arith.muli %arg1, %mul3A : i32
    %add3A = arith.addi %mul3A_0, %arg0 : i32
    %mul3A_1 = arith.constant 128 : i32
    %mul3A_2 = arith.muli %add3A, %mul3A_1 : i32
    "tpu.region"() ({
      %run_scoped3A = tpu.sem_alloc : memref<!tpu.dma_semaphore, #tpu.memory_space<semaphore_mem>>
      %dma_start3A_77 = arith.constant 0 : i32
      %dma_start3A_78 = tpu.memref_slice %arg2[%mul3A_2, %dma_start3A_77] : memref<4096x128xf32, #tpu.memory_space<hbm>> -> memref<128x128xf32, #tpu.memory_space<hbm>>
      %dma_start3A_79 = arith.constant 0 : i32
      %dma_start3A_80 = tpu.memref_slice %arg2[%mul3A_2, %dma_start3A_79] : memref<4096x128xf32, #tpu.memory_space<hbm>> -> memref<128x128xf32, #tpu.memory_space<hbm>>
      tpu.enqueue_dma source(%dma_start3A_80 : memref<128x128xf32, #tpu.memory_space<hbm>>) target(%arg6 : memref<128x128xf32, #tpu.memory_space<vmem>>) target_semaphore(%run_scoped3A : memref<!tpu.dma_semaphore, #tpu.memory_space<semaphore_mem>>)
      %dma_wait3A_81 = arith.constant 0 : i32
      %dma_wait3A_82 = tpu.memref_slice %arg2[%mul3A_2, %dma_wait3A_81] : memref<4096x128xf32, #tpu.memory_space<hbm>> -> memref<128x128xf32, #tpu.memory_space<hbm>>
      %dma_wait3A_83 = arith.constant 0 : i32
      %dma_wait3A_84 = tpu.memref_slice %arg2[%mul3A_2, %dma_wait3A_83] : memref<4096x128xf32, #tpu.memory_space<hbm>> -> memref<128x128xf32, #tpu.memory_space<hbm>>
      tpu.wait_dma2 semaphore(%run_scoped3A : memref<!tpu.dma_semaphore, #tpu.memory_space<semaphore_mem>>) src(%dma_wait3A_84 : memref<128x128xf32, #tpu.memory_space<hbm>>) dst(%arg6 : memref<128x128xf32, #tpu.memory_space<vmem>>)
      tpu.yield
    }) : () -> ()
    "tpu.region"() ({
      %run_scoped3A = tpu.sem_alloc : memref<!tpu.dma_semaphore, #tpu.memory_space<semaphore_mem>>
      %dma_start3A_77 = arith.constant 0 : i32
      %dma_start3A_78 = tpu.memref_slice %arg3[%mul3A_2, %dma_start3A_77] : memref<4096x128xf32, #tpu.memory_space<hbm>> -> memref<128x128xf32, #tpu.memory_space<hbm>>
      %dma_start3A_79 = arith.constant 0 : i32
      %dma_start3A_80 = tpu.memref_slice %arg3[%mul3A_2, %dma_start3A_79] : memref<4096x128xf32, #tpu.memory_space<hbm>> -> memref<128x128xf32, #tpu.memory_space<hbm>>
      tpu.enqueue_dma source(%dma_start3A_80 : memref<128x128xf32, #tpu.memory_space<hbm>>) target(%arg7 : memref<128x128xf32, #tpu.memory_space<vmem>>) target_semaphore(%run_scoped3A : memref<!tpu.dma_semaphore, #tpu.memory_space<semaphore_mem>>)
      %dma_wait3A_81 = arith.constant 0 : i32
      %dma_wait3A_82 = tpu.memref_slice %arg3[%mul3A_2, %dma_wait3A_81] : memref<4096x128xf32, #tpu.memory_space<hbm>> -> memref<128x128xf32, #tpu.memory_space<hbm>>
      %dma_wait3A_83 = arith.constant 0 : i32
      %dma_wait3A_84 = tpu.memref_slice %arg3[%mul3A_2, %dma_wait3A_83] : memref<4096x128xf32, #tpu.memory_space<hbm>> -> memref<128x128xf32, #tpu.memory_space<hbm>>
      tpu.wait_dma2 semaphore(%run_scoped3A : memref<!tpu.dma_semaphore, #tpu.memory_space<semaphore_mem>>) src(%dma_wait3A_84 : memref<128x128xf32, #tpu.memory_space<hbm>>) dst(%arg7 : memref<128x128xf32, #tpu.memory_space<vmem>>)
      tpu.yield
    }) : () -> ()
    %parallel_loop3A = arith.constant 0 : i32
    %parallel_loop3A_3 = arith.constant 1024 : i32
    %parallel_loop3A_4 = arith.constant 1 : i32
    scf.for %parallel_loop3A_77 = %parallel_loop3A to %parallel_loop3A_3 step %parallel_loop3A_4  : i32 {
      %parallel_loop3A_78 = arith.constant 8 : i32
      %parallel_loop3A_79 = arith.divsi %parallel_loop3A_77, %parallel_loop3A_78 : i32
      %parallel_loop3A_80 = arith.constant 0 : i32
      %parallel_loop3A_81 = arith.cmpi sgt, %parallel_loop3A_77, %parallel_loop3A_80 : i32
      %parallel_loop3A_82 = arith.extui %parallel_loop3A_81 : i1 to i32
      %parallel_loop3A_83 = arith.constant 0 : i32
      %parallel_loop3A_84 = arith.cmpi slt, %parallel_loop3A_77, %parallel_loop3A_83 : i32
      %parallel_loop3A_85 = arith.extui %parallel_loop3A_84 : i1 to i32
      %parallel_loop3A_86 = arith.subi %parallel_loop3A_82, %parallel_loop3A_85 : i32
      %parallel_loop3A_87 = arith.constant 0 : i32
      %parallel_loop3A_88 = arith.cmpi sgt, %parallel_loop3A_78, %parallel_loop3A_87 : i32
      %parallel_loop3A_89 = arith.extui %parallel_loop3A_88 : i1 to i32
      %parallel_loop3A_90 = arith.constant 0 : i32
      %parallel_loop3A_91 = arith.cmpi slt, %parallel_loop3A_78, %parallel_loop3A_90 : i32
      %parallel_loop3A_92 = arith.extui %parallel_loop3A_91 : i1 to i32
      %parallel_loop3A_93 = arith.subi %parallel_loop3A_89, %parallel_loop3A_92 : i32
      %parallel_loop3A_94 = arith.cmpi ne, %parallel_loop3A_86, %parallel_loop3A_93 : i32
      %parallel_loop3A_95 = arith.remsi %parallel_loop3A_77, %parallel_loop3A_78 : i32
      %parallel_loop3A_96 = arith.constant 0 : i32
      %parallel_loop3A_97 = arith.cmpi ne, %parallel_loop3A_95, %parallel_loop3A_96 : i32
      %parallel_loop3A_98 = arith.andi %parallel_loop3A_94, %parallel_loop3A_97 : i1
      %parallel_loop3A_99 = arith.constant 1 : i32
      %parallel_loop3A_100 = arith.subi %parallel_loop3A_79, %parallel_loop3A_99 : i32
      %parallel_loop3A_101 = arith.select %parallel_loop3A_98, %parallel_loop3A_100, %parallel_loop3A_79 : i32
      %parallel_loop3A_102 = arith.constant 8 : i32
      %parallel_loop3A_103 = arith.constant 0 : i32
      %parallel_loop3A_104 = arith.cmpi eq, %parallel_loop3A_102, %parallel_loop3A_103 : i32
      %parallel_loop3A_105 = arith.constant 1 : i32
      %parallel_loop3A_106 = arith.select %parallel_loop3A_104, %parallel_loop3A_105, %parallel_loop3A_102 : i32
      %parallel_loop3A_107 = arith.remsi %parallel_loop3A_77, %parallel_loop3A_106 : i32
      %parallel_loop3A_108 = arith.constant 0 : i32
      %parallel_loop3A_109 = arith.cmpi ne, %parallel_loop3A_107, %parallel_loop3A_108 : i32
      %parallel_loop3A_110 = arith.constant 0 : i32
      %parallel_loop3A_111 = arith.cmpi slt, %parallel_loop3A_107, %parallel_loop3A_110 : i32
      %parallel_loop3A_112 = arith.constant 0 : i32
      %parallel_loop3A_113 = arith.cmpi slt, %parallel_loop3A_106, %parallel_loop3A_112 : i32
      %parallel_loop3A_114 = arith.xori %parallel_loop3A_111, %parallel_loop3A_113 : i1
      %parallel_loop3A_115 = arith.andi %parallel_loop3A_114, %parallel_loop3A_109 : i1
      %parallel_loop3A_116 = arith.addi %parallel_loop3A_107, %parallel_loop3A_106 : i32
      %parallel_loop3A_117 = arith.select %parallel_loop3A_115, %parallel_loop3A_116, %parallel_loop3A_107 : i32
      %parallel_loop3A_118 = arith.constant 16 : i32
      %parallel_loop3A_119 = arith.muli %parallel_loop3A_117, %parallel_loop3A_118 : i32
      %parallel_loop3A_120 = arith.index_cast %parallel_loop3A_101 : i32 to index
      %parallel_loop3A_121 = arith.index_cast %parallel_loop3A_119 : i32 to index
      %parallel_loop3A_122 = tpu.vector_load %arg6[%parallel_loop3A_120, %parallel_loop3A_121] {strides = array<i32>} : memref<128x128xf32, #tpu.memory_space<vmem>>, vector<1x16xf32>,
      %parallel_loop3A_123 = vector.shape_cast %parallel_loop3A_122 : vector<1x16xf32> to vector<16xf32>
      %parallel_loop3A_124 = arith.fptosi %parallel_loop3A_123 : vector<16xf32> to vector<16xi32>
      %parallel_loop3A_125 = arith.index_cast %parallel_loop3A_101 : i32 to index
      %parallel_loop3A_126 = arith.index_cast %parallel_loop3A_119 : i32 to index
      %parallel_loop3A_127 = tpu.vector_load %arg8[%parallel_loop3A_125, %parallel_loop3A_126] {strides = array<i32>} : memref<128x128xi32, #tpu.memory_space<vmem>>, vector<1x16xi32>,
      %parallel_loop3A_128 = vector.shape_cast %parallel_loop3A_127 : vector<1x16xi32> to vector<16xi32>
      %parallel_loop3A_129 = vector.shape_cast %parallel_loop3A_124 : vector<16xi32> to vector<1x16xi32>
      tpu.vector_store %arg8[%parallel_loop3A_125, %parallel_loop3A_126], %parallel_loop3A_129 {strides = array<i32>} : memref<128x128xi32, #tpu.memory_space<vmem>>, vector<1x16xi32>,
      %parallel_loop3A_130 = arith.index_cast %parallel_loop3A_101 : i32 to index
      %parallel_loop3A_131 = arith.index_cast %parallel_loop3A_119 : i32 to index
      %parallel_loop3A_132 = tpu.vector_load %arg7[%parallel_loop3A_130, %parallel_loop3A_131] {strides = array<i32>} : memref<128x128xf32, #tpu.memory_space<vmem>>, vector<1x16xf32>,
      %parallel_loop3A_133 = vector.shape_cast %parallel_loop3A_132 : vector<1x16xf32> to vector<16xf32>
      %parallel_loop3A_134 = arith.fptosi %parallel_loop3A_133 : vector<16xf32> to vector<16xi32>
      %parallel_loop3A_135 = arith.index_cast %parallel_loop3A_101 : i32 to index
      %parallel_loop3A_136 = arith.index_cast %parallel_loop3A_119 : i32 to index
      %parallel_loop3A_137 = tpu.vector_load %arg9[%parallel_loop3A_135, %parallel_loop3A_136] {strides = array<i32>} : memref<128x128xi32, #tpu.memory_space<vmem>>, vector<1x16xi32>,
      %parallel_loop3A_138 = vector.shape_cast %parallel_loop3A_137 : vector<1x16xi32> to vector<16xi32>
      %parallel_loop3A_139 = vector.shape_cast %parallel_loop3A_134 : vector<16xi32> to vector<1x16xi32>
      tpu.vector_store %arg9[%parallel_loop3A_135, %parallel_loop3A_136], %parallel_loop3A_139 {strides = array<i32>} : memref<128x128xi32, #tpu.memory_space<vmem>>, vector<1x16xi32>,
    } {sc.loop_unroll_factor = 4 : i64, sc.parallel_access}
    %dma_start3A = arith.constant 0 : i32
    %dma_start3A_5 = arith.constant 0 : i32
    %dma_start3A_6 = arith.constant 0 : i32
    %dma_start3A_7 = tpu.memref_slice %arg10[%dma_start3A_5, %dma_start3A_6] : memref<200x64xf32, #tpu.memory_space<vmem>> -> memref<128x64xf32, #tpu.memory_space<vmem>>
    %dma_start3A_8 = arith.constant 0 : i32
    %dma_start3A_9 = tpu.memref_slice %arg8[%dma_start3A, %dma_start3A_8] : memref<128x128xi32, #tpu.memory_space<vmem>> -> memref<1x128xi32, #tpu.memory_space<vmem>>
    %dma_start3A_10 = tpu.memref_squeeze %dma_start3A_9 : memref<1x128xi32, #tpu.memory_space<vmem>> -> memref<128xi32, #tpu.memory_space<vmem>>
    %dma_start3A_11 = arith.constant 0 : i32
    %dma_start3A_12 = arith.constant 0 : i32
    %dma_start3A_13 = tpu.memref_slice %arg4[%dma_start3A_11, %dma_start3A_12] : memref<1000000x64xf32, #tpu.memory_space<hbm>> -> memref<1000000x64xf32, #tpu.memory_space<hbm>>
    tpu.enqueue_indirect_dma source(%dma_start3A_13 : memref<1000000x64xf32, #tpu.memory_space<hbm>>) target(%dma_start3A_7 : memref<128x64xf32, #tpu.memory_space<vmem>>) offsets(%dma_start3A_10 : memref<128xi32, #tpu.memory_space<vmem>>) semaphore(%arg12 : memref<!tpu.dma_semaphore, #tpu.memory_space<semaphore_mem>>)
    %dma_start3A_14 = arith.constant 0 : i32
    %dma_start3A_15 = arith.constant 128 : i32
    %dma_start3A_16 = arith.constant 0 : i32
    %dma_start3A_17 = tpu.memref_slice %arg10[%dma_start3A_15, %dma_start3A_16] : memref<200x64xf32, #tpu.memory_space<vmem>> -> memref<72x64xf32, #tpu.memory_space<vmem>>
    %dma_start3A_18 = arith.constant 56 : i32
    %dma_start3A_19 = tpu.memref_slice %arg9[%dma_start3A_14, %dma_start3A_18] : memref<128x128xi32, #tpu.memory_space<vmem>> -> memref<1x72xi32, #tpu.memory_space<vmem>>
    %dma_start3A_20 = tpu.memref_squeeze %dma_start3A_19 : memref<1x72xi32, #tpu.memory_space<vmem>> -> memref<72xi32, #tpu.memory_space<vmem>>
    %dma_start3A_21 = arith.constant 0 : i32
    %dma_start3A_22 = arith.constant 0 : i32
    %dma_start3A_23 = tpu.memref_slice %arg4[%dma_start3A_21, %dma_start3A_22] : memref<1000000x64xf32, #tpu.memory_space<hbm>> -> memref<1000000x64xf32, #tpu.memory_space<hbm>>
    tpu.enqueue_indirect_dma source(%dma_start3A_23 : memref<1000000x64xf32, #tpu.memory_space<hbm>>) target(%dma_start3A_17 : memref<72x64xf32, #tpu.memory_space<vmem>>) offsets(%dma_start3A_20 : memref<72xi32, #tpu.memory_space<vmem>>) semaphore(%arg12 : memref<!tpu.dma_semaphore, #tpu.memory_space<semaphore_mem>>)
    %scan3A = arith.constant 0 : i32
    %scan3A_24 = arith.constant 0 : i32
    %scan3A_25 = arith.constant 64 : i32
    %scan3A_26 = arith.addi %scan3A_24, %scan3A_25 : i32
    %scan3A_27 = arith.constant 1 : i32
    scf.for %scan3A_77 = %scan3A_24 to %scan3A_26 step %scan3A_27  : i32 {
      %mul3A_78 = arith.constant 2 : i32
      %mul3A_79 = arith.muli %mul3A_78, %scan3A_77 : i32
      %add3A_80 = arith.constant 0 : i32
      %add3A_81 = arith.addi %mul3A_79, %add3A_80 : i32
      %gt3A = arith.constant 0 : i32
      %gt3A_82 = arith.cmpi sgt, %scan3A_77, %gt3A : i32
      %convert_element_type3A = arith.extui %gt3A_82 : i1 to i32
      %cond3A = arith.constant 0 : i32
      %cond3A_83 = arith.cmpi ne, %convert_element_type3A, %cond3A : i32
      scf.if %cond3A_83 {
        %sub3A_325 = arith.constant 1 : i32
        %sub3A_326 = arith.subi %add3A_81, %sub3A_325 : i32
        %add3A_327 = arith.addi %mul3A_2, %sub3A_326 : i32
        %jit3A_328 = arith.constant 16 : i32
        %div3A_329 = arith.divsi %add3A_327, %jit3A_328 : i32
        %sign3A_330 = arith.constant 0 : i32
        %sign3A_331 = arith.cmpi sgt, %add3A_327, %sign3A_330 : i32
        %sign3A_332 = arith.extui %sign3A_331 : i1 to i32
        %sign3A_333 = arith.constant 0 : i32
        %sign3A_334 = arith.cmpi slt, %add3A_327, %sign3A_333 : i32
        %sign3A_335 = arith.extui %sign3A_334 : i1 to i32
        %sign3A_336 = arith.subi %sign3A_332, %sign3A_335 : i32
        %sign3A_337 = arith.constant 0 : i32
        %sign3A_338 = arith.cmpi sgt, %jit3A_328, %sign3A_337 : i32
        %sign3A_339 = arith.extui %sign3A_338 : i1 to i32
        %sign3A_340 = arith.constant 0 : i32
        %sign3A_341 = arith.cmpi slt, %jit3A_328, %sign3A_340 : i32
        %sign3A_342 = arith.extui %sign3A_341 : i1 to i32
        %sign3A_343 = arith.subi %sign3A_339, %sign3A_342 : i32
        %ne3A_344 = arith.cmpi ne, %sign3A_336, %sign3A_343 : i32
        %rem3A_345 = arith.remsi %add3A_327, %jit3A_328 : i32
        %ne3A_346 = arith.constant 0 : i32
        %ne3A_347 = arith.cmpi ne, %rem3A_345, %ne3A_346 : i32
        %and3A_348 = arith.andi %ne3A_344, %ne3A_347 : i1
        %sub3A_349 = arith.constant 1 : i32
        %sub3A_350 = arith.subi %div3A_329, %sub3A_349 : i32
        %select_n3A_351 = arith.select %and3A_348, %sub3A_350, %div3A_329 : i32
        %jit3A_352 = arith.constant 16 : i32
        %eq3A_353 = arith.constant 0 : i32
        %eq3A_354 = arith.cmpi eq, %jit3A_352, %eq3A_353 : i32
        %jit3A_355 = arith.constant 1 : i32
        %select_n3A_356 = arith.select %eq3A_354, %jit3A_355, %jit3A_352 : i32
        %rem3A_357 = arith.remsi %add3A_327, %select_n3A_356 : i32
        %ne3A_358 = arith.constant 0 : i32
        %ne3A_359 = arith.cmpi ne, %rem3A_357, %ne3A_358 : i32
        %lt3A_360 = arith.constant 0 : i32
        %lt3A_361 = arith.cmpi slt, %rem3A_357, %lt3A_360 : i32
        %lt3A_362 = arith.constant 0 : i32
        %lt3A_363 = arith.cmpi slt, %select_n3A_356, %lt3A_362 : i32
        %ne3A_364 = arith.xori %lt3A_361, %lt3A_363 : i1
        %and3A_365 = arith.andi %ne3A_364, %ne3A_359 : i1
        %add3A_366 = arith.addi %rem3A_357, %select_n3A_356 : i32
        %select_n3A_367 = arith.select %and3A_365, %add3A_366, %rem3A_357 : i32
        %lt3A_368 = arith.constant 8 : i32
        %lt3A_369 = arith.cmpi slt, %select_n3A_367, %lt3A_368 : i32
        %jit3A_370 = arith.constant 0 : i32
        %jit3A_371 = arith.constant 64 : i32
        %select_n3A_372 = arith.select %lt3A_369, %jit3A_370, %jit3A_371 : i32
        %mul3A_373 = arith.constant 1600 : i32
        %mul3A_374 = arith.muli %select_n3A_351, %mul3A_373 : i32
        %lt3A_375 = arith.constant 8 : i32
        %lt3A_376 = arith.cmpi slt, %select_n3A_367, %lt3A_375 : i32
        %sub3A_377 = arith.constant 8 : i32
        %sub3A_378 = arith.subi %select_n3A_367, %sub3A_377 : i32
        %select_n3A_379 = arith.select %lt3A_376, %select_n3A_367, %sub3A_378 : i32
        %mul3A_380 = arith.constant 200 : i32
        %mul3A_381 = arith.muli %select_n3A_379, %mul3A_380 : i32
        %add3A_382 = arith.addi %mul3A_374, %mul3A_381 : i32
        %dma_wait3A_383 = tpu.memref_slice %arg5[%add3A_382, %select_n3A_372] : memref<409600x128xf32, #tpu.memory_space<hbm>> -> memref<200x64xf32, #tpu.memory_space<hbm>>
        %dma_wait3A_384 = tpu.memref_slice %arg5[%add3A_382, %select_n3A_372] : memref<409600x128xf32, #tpu.memory_space<hbm>> -> memref<200x64xf32, #tpu.memory_space<hbm>>
        tpu.wait_dma2 semaphore(%arg15 : memref<!tpu.dma_semaphore, #tpu.memory_space<semaphore_mem>>) src(%arg11 : memref<200x64xf32, #tpu.memory_space<vmem>>) dst(%dma_wait3A_384 : memref<200x64xf32, #tpu.memory_space<hbm>>)
      } else {
      }
      %add3A_84 = arith.constant 1 : i32
      %add3A_85 = arith.addi %add3A_81, %add3A_84 : i32
      %dma_start3A_86 = arith.constant 0 : i32
      %dma_start3A_87 = arith.constant 0 : i32
      %dma_start3A_88 = tpu.memref_slice %arg11[%dma_start3A_86, %dma_start3A_87] : memref<200x64xf32, #tpu.memory_space<vmem>> -> memref<128x64xf32, #tpu.memory_space<vmem>>
      %dma_start3A_89 = arith.constant 0 : i32
      %dma_start3A_90 = tpu.memref_slice %arg8[%add3A_85, %dma_start3A_89] : memref<128x128xi32, #tpu.memory_space<vmem>> -> memref<1x128xi32, #tpu.memory_space<vmem>>
      %dma_start3A_91 = tpu.memref_squeeze %dma_start3A_90 : memref<1x128xi32, #tpu.memory_space<vmem>> -> memref<128xi32, #tpu.memory_space<vmem>>
      %dma_start3A_92 = arith.constant 0 : i32
      %dma_start3A_93 = arith.constant 0 : i32
      %dma_start3A_94 = tpu.memref_slice %arg4[%dma_start3A_92, %dma_start3A_93] : memref<1000000x64xf32, #tpu.memory_space<hbm>> -> memref<1000000x64xf32, #tpu.memory_space<hbm>>
      tpu.enqueue_indirect_dma source(%dma_start3A_94 : memref<1000000x64xf32, #tpu.memory_space<hbm>>) target(%dma_start3A_88 : memref<128x64xf32, #tpu.memory_space<vmem>>) offsets(%dma_start3A_91 : memref<128xi32, #tpu.memory_space<vmem>>) semaphore(%arg13 : memref<!tpu.dma_semaphore, #tpu.memory_space<semaphore_mem>>)
      %dma_start3A_95 = arith.constant 128 : i32
      %dma_start3A_96 = arith.constant 0 : i32
      %dma_start3A_97 = tpu.memref_slice %arg11[%dma_start3A_95, %dma_start3A_96] : memref<200x64xf32, #tpu.memory_space<vmem>> -> memref<72x64xf32, #tpu.memory_space<vmem>>
      %dma_start3A_98 = arith.constant 56 : i32
      %dma_start3A_99 = tpu.memref_slice %arg9[%add3A_85, %dma_start3A_98] : memref<128x128xi32, #tpu.memory_space<vmem>> -> memref<1x72xi32, #tpu.memory_space<vmem>>
      %dma_start3A_100 = tpu.memref_squeeze %dma_start3A_99 : memref<1x72xi32, #tpu.memory_space<vmem>> -> memref<72xi32, #tpu.memory_space<vmem>>
      %dma_start3A_101 = arith.constant 0 : i32
      %dma_start3A_102 = arith.constant 0 : i32
      %dma_start3A_103 = tpu.memref_slice %arg4[%dma_start3A_101, %dma_start3A_102] : memref<1000000x64xf32, #tpu.memory_space<hbm>> -> memref<1000000x64xf32, #tpu.memory_space<hbm>>
      tpu.enqueue_indirect_dma source(%dma_start3A_103 : memref<1000000x64xf32, #tpu.memory_space<hbm>>) target(%dma_start3A_97 : memref<72x64xf32, #tpu.memory_space<vmem>>) offsets(%dma_start3A_100 : memref<72xi32, #tpu.memory_space<vmem>>) semaphore(%arg13 : memref<!tpu.dma_semaphore, #tpu.memory_space<semaphore_mem>>)
      %dma_wait3A_104 = arith.constant 0 : i32
      %dma_wait3A_105 = arith.constant 0 : i32
      %dma_wait3A_106 = tpu.memref_slice %arg10[%dma_wait3A_104, %dma_wait3A_105] : memref<200x64xf32, #tpu.memory_space<vmem>> -> memref<128x64xf32, #tpu.memory_space<vmem>>
      %dma_wait3A_107 = arith.constant 0 : i32
      %dma_wait3A_108 = tpu.memref_slice %arg8[%add3A_81, %dma_wait3A_107] : memref<128x128xi32, #tpu.memory_space<vmem>> -> memref<1x128xi32, #tpu.memory_space<vmem>>
      %dma_wait3A_109 = tpu.memref_squeeze %dma_wait3A_108 : memref<1x128xi32, #tpu.memory_space<vmem>> -> memref<128xi32, #tpu.memory_space<vmem>>
      %dma_wait3A_110 = arith.constant 0 : i32
      %dma_wait3A_111 = arith.constant 0 : i32
      %dma_wait3A_112 = tpu.memref_slice %arg4[%dma_wait3A_110, %dma_wait3A_111] : memref<1000000x64xf32, #tpu.memory_space<hbm>> -> memref<1000000x64xf32, #tpu.memory_space<hbm>>
      tpu.wait_indirect_dma semaphore(%arg12 : memref<!tpu.dma_semaphore, #tpu.memory_space<semaphore_mem>>) src(%dma_wait3A_112 : memref<1000000x64xf32, #tpu.memory_space<hbm>>) dst(%dma_wait3A_106 : memref<128x64xf32, #tpu.memory_space<vmem>>)
      %dma_wait3A_113 = arith.constant 128 : i32
      %dma_wait3A_114 = arith.constant 0 : i32
      %dma_wait3A_115 = tpu.memref_slice %arg10[%dma_wait3A_113, %dma_wait3A_114] : memref<200x64xf32, #tpu.memory_space<vmem>> -> memref<72x64xf32, #tpu.memory_space<vmem>>
      %dma_wait3A_116 = arith.constant 56 : i32
      %dma_wait3A_117 = tpu.memref_slice %arg9[%add3A_81, %dma_wait3A_116] : memref<128x128xi32, #tpu.memory_space<vmem>> -> memref<1x72xi32, #tpu.memory_space<vmem>>
      %dma_wait3A_118 = tpu.memref_squeeze %dma_wait3A_117 : memref<1x72xi32, #tpu.memory_space<vmem>> -> memref<72xi32, #tpu.memory_space<vmem>>
      %dma_wait3A_119 = arith.constant 0 : i32
      %dma_wait3A_120 = arith.constant 0 : i32
      %dma_wait3A_121 = tpu.memref_slice %arg4[%dma_wait3A_119, %dma_wait3A_120] : memref<1000000x64xf32, #tpu.memory_space<hbm>> -> memref<1000000x64xf32, #tpu.memory_space<hbm>>
      tpu.wait_indirect_dma semaphore(%arg12 : memref<!tpu.dma_semaphore, #tpu.memory_space<semaphore_mem>>) src(%dma_wait3A_121 : memref<1000000x64xf32, #tpu.memory_space<hbm>>) dst(%dma_wait3A_115 : memref<72x64xf32, #tpu.memory_space<vmem>>)
      %add3A_122 = arith.addi %mul3A_2, %add3A_81 : i32
      %jit3A_123 = arith.constant 16 : i32
      %div3A_124 = arith.divsi %add3A_122, %jit3A_123 : i32
      %sign3A_125 = arith.constant 0 : i32
      %sign3A_126 = arith.cmpi sgt, %add3A_122, %sign3A_125 : i32
      %sign3A_127 = arith.extui %sign3A_126 : i1 to i32
      %sign3A_128 = arith.constant 0 : i32
      %sign3A_129 = arith.cmpi slt, %add3A_122, %sign3A_128 : i32
      %sign3A_130 = arith.extui %sign3A_129 : i1 to i32
      %sign3A_131 = arith.subi %sign3A_127, %sign3A_130 : i32
      %sign3A_132 = arith.constant 0 : i32
      %sign3A_133 = arith.cmpi sgt, %jit3A_123, %sign3A_132 : i32
      %sign3A_134 = arith.extui %sign3A_133 : i1 to i32
      %sign3A_135 = arith.constant 0 : i32
      %sign3A_136 = arith.cmpi slt, %jit3A_123, %sign3A_135 : i32
      %sign3A_137 = arith.extui %sign3A_136 : i1 to i32
      %sign3A_138 = arith.subi %sign3A_134, %sign3A_137 : i32
      %ne3A_139 = arith.cmpi ne, %sign3A_131, %sign3A_138 : i32
      %rem3A_140 = arith.remsi %add3A_122, %jit3A_123 : i32
      %ne3A_141 = arith.constant 0 : i32
      %ne3A_142 = arith.cmpi ne, %rem3A_140, %ne3A_141 : i32
      %and3A_143 = arith.andi %ne3A_139, %ne3A_142 : i1
      %sub3A_144 = arith.constant 1 : i32
      %sub3A_145 = arith.subi %div3A_124, %sub3A_144 : i32
      %select_n3A_146 = arith.select %and3A_143, %sub3A_145, %div3A_124 : i32
      %jit3A_147 = arith.constant 16 : i32
      %eq3A_148 = arith.constant 0 : i32
      %eq3A_149 = arith.cmpi eq, %jit3A_147, %eq3A_148 : i32
      %jit3A_150 = arith.constant 1 : i32
      %select_n3A_151 = arith.select %eq3A_149, %jit3A_150, %jit3A_147 : i32
      %rem3A_152 = arith.remsi %add3A_122, %select_n3A_151 : i32
      %ne3A_153 = arith.constant 0 : i32
      %ne3A_154 = arith.cmpi ne, %rem3A_152, %ne3A_153 : i32
      %lt3A_155 = arith.constant 0 : i32
      %lt3A_156 = arith.cmpi slt, %rem3A_152, %lt3A_155 : i32
      %lt3A_157 = arith.constant 0 : i32
      %lt3A_158 = arith.cmpi slt, %select_n3A_151, %lt3A_157 : i32
      %ne3A_159 = arith.xori %lt3A_156, %lt3A_158 : i1
      %and3A_160 = arith.andi %ne3A_159, %ne3A_154 : i1
      %add3A_161 = arith.addi %rem3A_152, %select_n3A_151 : i32
      %select_n3A_162 = arith.select %and3A_160, %add3A_161, %rem3A_152 : i32
      %lt3A_163 = arith.constant 8 : i32
      %lt3A_164 = arith.cmpi slt, %select_n3A_162, %lt3A_163 : i32
      %jit3A_165 = arith.constant 0 : i32
      %jit3A_166 = arith.constant 64 : i32
      %select_n3A_167 = arith.select %lt3A_164, %jit3A_165, %jit3A_166 : i32
      %mul3A_168 = arith.constant 1600 : i32
      %mul3A_169 = arith.muli %select_n3A_146, %mul3A_168 : i32
      %lt3A_170 = arith.constant 8 : i32
      %lt3A_171 = arith.cmpi slt, %select_n3A_162, %lt3A_170 : i32
      %sub3A_172 = arith.constant 8 : i32
      %sub3A_173 = arith.subi %select_n3A_162, %sub3A_172 : i32
      %select_n3A_174 = arith.select %lt3A_171, %select_n3A_162, %sub3A_173 : i32
      %mul3A_175 = arith.constant 200 : i32
      %mul3A_176 = arith.muli %select_n3A_174, %mul3A_175 : i32
      %add3A_177 = arith.addi %mul3A_169, %mul3A_176 : i32
      %dma_start3A_178 = tpu.memref_slice %arg5[%add3A_177, %select_n3A_167] : memref<409600x128xf32, #tpu.memory_space<hbm>> -> memref<200x64xf32, #tpu.memory_space<hbm>>
      %dma_start3A_179 = tpu.memref_slice %arg5[%add3A_177, %select_n3A_167] : memref<409600x128xf32, #tpu.memory_space<hbm>> -> memref<200x64xf32, #tpu.memory_space<hbm>>
      tpu.enqueue_dma source(%arg10 : memref<200x64xf32, #tpu.memory_space<vmem>>) target(%dma_start3A_179 : memref<200x64xf32, #tpu.memory_space<hbm>>) target_semaphore(%arg14 : memref<!tpu.dma_semaphore, #tpu.memory_space<semaphore_mem>>)
      %mul3A_180 = arith.constant 2 : i32
      %mul3A_181 = arith.muli %mul3A_180, %scan3A_77 : i32
      %add3A_182 = arith.constant 1 : i32
      %add3A_183 = arith.addi %mul3A_181, %add3A_182 : i32
      %sub3A_184 = arith.constant 1 : i32
      %sub3A_185 = arith.subi %add3A_183, %sub3A_184 : i32
      %add3A_186 = arith.addi %mul3A_2, %sub3A_185 : i32
      %jit3A_187 = arith.constant 16 : i32
      %div3A_188 = arith.divsi %add3A_186, %jit3A_187 : i32
      %sign3A_189 = arith.constant 0 : i32
      %sign3A_190 = arith.cmpi sgt, %add3A_186, %sign3A_189 : i32
      %sign3A_191 = arith.extui %sign3A_190 : i1 to i32
      %sign3A_192 = arith.constant 0 : i32
      %sign3A_193 = arith.cmpi slt, %add3A_186, %sign3A_192 : i32
      %sign3A_194 = arith.extui %sign3A_193 : i1 to i32
      %sign3A_195 = arith.subi %sign3A_191, %sign3A_194 : i32
      %sign3A_196 = arith.constant 0 : i32
      %sign3A_197 = arith.cmpi sgt, %jit3A_187, %sign3A_196 : i32
      %sign3A_198 = arith.extui %sign3A_197 : i1 to i32
      %sign3A_199 = arith.constant 0 : i32
      %sign3A_200 = arith.cmpi slt, %jit3A_187, %sign3A_199 : i32
      %sign3A_201 = arith.extui %sign3A_200 : i1 to i32
      %sign3A_202 = arith.subi %sign3A_198, %sign3A_201 : i32
      %ne3A_203 = arith.cmpi ne, %sign3A_195, %sign3A_202 : i32
      %rem3A_204 = arith.remsi %add3A_186, %jit3A_187 : i32
      %ne3A_205 = arith.constant 0 : i32
      %ne3A_206 = arith.cmpi ne, %rem3A_204, %ne3A_205 : i32
      %and3A_207 = arith.andi %ne3A_203, %ne3A_206 : i1
      %sub3A_208 = arith.constant 1 : i32
      %sub3A_209 = arith.subi %div3A_188, %sub3A_208 : i32
      %select_n3A_210 = arith.select %and3A_207, %sub3A_209, %div3A_188 : i32
      %jit3A_211 = arith.constant 16 : i32
      %eq3A_212 = arith.constant 0 : i32
      %eq3A_213 = arith.cmpi eq, %jit3A_211, %eq3A_212 : i32
      %jit3A_214 = arith.constant 1 : i32
      %select_n3A_215 = arith.select %eq3A_213, %jit3A_214, %jit3A_211 : i32
      %rem3A_216 = arith.remsi %add3A_186, %select_n3A_215 : i32
      %ne3A_217 = arith.constant 0 : i32
      %ne3A_218 = arith.cmpi ne, %rem3A_216, %ne3A_217 : i32
      %lt3A_219 = arith.constant 0 : i32
      %lt3A_220 = arith.cmpi slt, %rem3A_216, %lt3A_219 : i32
      %lt3A_221 = arith.constant 0 : i32
      %lt3A_222 = arith.cmpi slt, %select_n3A_215, %lt3A_221 : i32
      %ne3A_223 = arith.xori %lt3A_220, %lt3A_222 : i1
      %and3A_224 = arith.andi %ne3A_223, %ne3A_218 : i1
      %add3A_225 = arith.addi %rem3A_216, %select_n3A_215 : i32
      %select_n3A_226 = arith.select %and3A_224, %add3A_225, %rem3A_216 : i32
      %lt3A_227 = arith.constant 8 : i32
      %lt3A_228 = arith.cmpi slt, %select_n3A_226, %lt3A_227 : i32
      %jit3A_229 = arith.constant 0 : i32
      %jit3A_230 = arith.constant 64 : i32
      %select_n3A_231 = arith.select %lt3A_228, %jit3A_229, %jit3A_230 : i32
      %mul3A_232 = arith.constant 1600 : i32
      %mul3A_233 = arith.muli %select_n3A_210, %mul3A_232 : i32
      %lt3A_234 = arith.constant 8 : i32
      %lt3A_235 = arith.cmpi slt, %select_n3A_226, %lt3A_234 : i32
      %sub3A_236 = arith.constant 8 : i32
      %sub3A_237 = arith.subi %select_n3A_226, %sub3A_236 : i32
      %select_n3A_238 = arith.select %lt3A_235, %select_n3A_226, %sub3A_237 : i32
      %mul3A_239 = arith.constant 200 : i32
      %mul3A_240 = arith.muli %select_n3A_238, %mul3A_239 : i32
      %add3A_241 = arith.addi %mul3A_233, %mul3A_240 : i32
      %dma_wait3A_242 = tpu.memref_slice %arg5[%add3A_241, %select_n3A_231] : memref<409600x128xf32, #tpu.memory_space<hbm>> -> memref<200x64xf32, #tpu.memory_space<hbm>>
      %dma_wait3A_243 = tpu.memref_slice %arg5[%add3A_241, %select_n3A_231] : memref<409600x128xf32, #tpu.memory_space<hbm>> -> memref<200x64xf32, #tpu.memory_space<hbm>>
      tpu.wait_dma2 semaphore(%arg14 : memref<!tpu.dma_semaphore, #tpu.memory_space<semaphore_mem>>) src(%arg10 : memref<200x64xf32, #tpu.memory_space<vmem>>) dst(%dma_wait3A_243 : memref<200x64xf32, #tpu.memory_space<hbm>>)
      %lt3A_244 = arith.constant 63 : i32
      %lt3A_245 = arith.cmpi slt, %scan3A_77, %lt3A_244 : i32
      %convert_element_type3A_246 = arith.extui %lt3A_245 : i1 to i32
      %cond3A_247 = arith.constant 0 : i32
      %cond3A_248 = arith.cmpi ne, %convert_element_type3A_246, %cond3A_247 : i32
      scf.if %cond3A_248 {
        %add3A_325 = arith.constant 1 : i32
        %add3A_326 = arith.addi %add3A_183, %add3A_325 : i32
        %dma_start3A_327 = arith.constant 0 : i32
        %dma_start3A_328 = arith.constant 0 : i32
        %dma_start3A_329 = tpu.memref_slice %arg10[%dma_start3A_327, %dma_start3A_328] : memref<200x64xf32, #tpu.memory_space<vmem>> -> memref<128x64xf32, #tpu.memory_space<vmem>>
        %dma_start3A_330 = arith.constant 0 : i32
        %dma_start3A_331 = tpu.memref_slice %arg8[%add3A_326, %dma_start3A_330] : memref<128x128xi32, #tpu.memory_space<vmem>> -> memref<1x128xi32, #tpu.memory_space<vmem>>
        %dma_start3A_332 = tpu.memref_squeeze %dma_start3A_331 : memref<1x128xi32, #tpu.memory_space<vmem>> -> memref<128xi32, #tpu.memory_space<vmem>>
        %dma_start3A_333 = arith.constant 0 : i32
        %dma_start3A_334 = arith.constant 0 : i32
        %dma_start3A_335 = tpu.memref_slice %arg4[%dma_start3A_333, %dma_start3A_334] : memref<1000000x64xf32, #tpu.memory_space<hbm>> -> memref<1000000x64xf32, #tpu.memory_space<hbm>>
        tpu.enqueue_indirect_dma source(%dma_start3A_335 : memref<1000000x64xf32, #tpu.memory_space<hbm>>) target(%dma_start3A_329 : memref<128x64xf32, #tpu.memory_space<vmem>>) offsets(%dma_start3A_332 : memref<128xi32, #tpu.memory_space<vmem>>) semaphore(%arg12 : memref<!tpu.dma_semaphore, #tpu.memory_space<semaphore_mem>>)
        %dma_start3A_336 = arith.constant 128 : i32
        %dma_start3A_337 = arith.constant 0 : i32
        %dma_start3A_338 = tpu.memref_slice %arg10[%dma_start3A_336, %dma_start3A_337] : memref<200x64xf32, #tpu.memory_space<vmem>> -> memref<72x64xf32, #tpu.memory_space<vmem>>
        %dma_start3A_339 = arith.constant 56 : i32
        %dma_start3A_340 = tpu.memref_slice %arg9[%add3A_326, %dma_start3A_339] : memref<128x128xi32, #tpu.memory_space<vmem>> -> memref<1x72xi32, #tpu.memory_space<vmem>>
        %dma_start3A_341 = tpu.memref_squeeze %dma_start3A_340 : memref<1x72xi32, #tpu.memory_space<vmem>> -> memref<72xi32, #tpu.memory_space<vmem>>
        %dma_start3A_342 = arith.constant 0 : i32
        %dma_start3A_343 = arith.constant 0 : i32
        %dma_start3A_344 = tpu.memref_slice %arg4[%dma_start3A_342, %dma_start3A_343] : memref<1000000x64xf32, #tpu.memory_space<hbm>> -> memref<1000000x64xf32, #tpu.memory_space<hbm>>
        tpu.enqueue_indirect_dma source(%dma_start3A_344 : memref<1000000x64xf32, #tpu.memory_space<hbm>>) target(%dma_start3A_338 : memref<72x64xf32, #tpu.memory_space<vmem>>) offsets(%dma_start3A_341 : memref<72xi32, #tpu.memory_space<vmem>>) semaphore(%arg12 : memref<!tpu.dma_semaphore, #tpu.memory_space<semaphore_mem>>)
      } else {
      }
      %dma_wait3A_249 = arith.constant 0 : i32
      %dma_wait3A_250 = arith.constant 0 : i32
      %dma_wait3A_251 = tpu.memref_slice %arg11[%dma_wait3A_249, %dma_wait3A_250] : memref<200x64xf32, #tpu.memory_space<vmem>> -> memref<128x64xf32, #tpu.memory_space<vmem>>
      %dma_wait3A_252 = arith.constant 0 : i32
      %dma_wait3A_253 = tpu.memref_slice %arg8[%add3A_183, %dma_wait3A_252] : memref<128x128xi32, #tpu.memory_space<vmem>> -> memref<1x128xi32, #tpu.memory_space<vmem>>
      %dma_wait3A_254 = tpu.memref_squeeze %dma_wait3A_253 : memref<1x128xi32, #tpu.memory_space<vmem>> -> memref<128xi32, #tpu.memory_space<vmem>>
      %dma_wait3A_255 = arith.constant 0 : i32
      %dma_wait3A_256 = arith.constant 0 : i32
      %dma_wait3A_257 = tpu.memref_slice %arg4[%dma_wait3A_255, %dma_wait3A_256] : memref<1000000x64xf32, #tpu.memory_space<hbm>> -> memref<1000000x64xf32, #tpu.memory_space<hbm>>
      tpu.wait_indirect_dma semaphore(%arg13 : memref<!tpu.dma_semaphore, #tpu.memory_space<semaphore_mem>>) src(%dma_wait3A_257 : memref<1000000x64xf32, #tpu.memory_space<hbm>>) dst(%dma_wait3A_251 : memref<128x64xf32, #tpu.memory_space<vmem>>)
      %dma_wait3A_258 = arith.constant 128 : i32
      %dma_wait3A_259 = arith.constant 0 : i32
      %dma_wait3A_260 = tpu.memref_slice %arg11[%dma_wait3A_258, %dma_wait3A_259] : memref<200x64xf32, #tpu.memory_space<vmem>> -> memref<72x64xf32, #tpu.memory_space<vmem>>
      %dma_wait3A_261 = arith.constant 56 : i32
      %dma_wait3A_262 = tpu.memref_slice %arg9[%add3A_183, %dma_wait3A_261] : memref<128x128xi32, #tpu.memory_space<vmem>> -> memref<1x72xi32, #tpu.memory_space<vmem>>
      %dma_wait3A_263 = tpu.memref_squeeze %dma_wait3A_262 : memref<1x72xi32, #tpu.memory_space<vmem>> -> memref<72xi32, #tpu.memory_space<vmem>>
      %dma_wait3A_264 = arith.constant 0 : i32
      %dma_wait3A_265 = arith.constant 0 : i32
      %dma_wait3A_266 = tpu.memref_slice %arg4[%dma_wait3A_264, %dma_wait3A_265] : memref<1000000x64xf32, #tpu.memory_space<hbm>> -> memref<1000000x64xf32, #tpu.memory_space<hbm>>
      tpu.wait_indirect_dma semaphore(%arg13 : memref<!tpu.dma_semaphore, #tpu.memory_space<semaphore_mem>>) src(%dma_wait3A_266 : memref<1000000x64xf32, #tpu.memory_space<hbm>>) dst(%dma_wait3A_260 : memref<72x64xf32, #tpu.memory_space<vmem>>)
      %add3A_267 = arith.addi %mul3A_2, %add3A_183 : i32
      %jit3A_268 = arith.constant 16 : i32
      %div3A_269 = arith.divsi %add3A_267, %jit3A_268 : i32
      %sign3A_270 = arith.constant 0 : i32
      %sign3A_271 = arith.cmpi sgt, %add3A_267, %sign3A_270 : i32
      %sign3A_272 = arith.extui %sign3A_271 : i1 to i32
      %sign3A_273 = arith.constant 0 : i32
      %sign3A_274 = arith.cmpi slt, %add3A_267, %sign3A_273 : i32
      %sign3A_275 = arith.extui %sign3A_274 : i1 to i32
      %sign3A_276 = arith.subi %sign3A_272, %sign3A_275 : i32
      %sign3A_277 = arith.constant 0 : i32
      %sign3A_278 = arith.cmpi sgt, %jit3A_268, %sign3A_277 : i32
      %sign3A_279 = arith.extui %sign3A_278 : i1 to i32
      %sign3A_280 = arith.constant 0 : i32
      %sign3A_281 = arith.cmpi slt, %jit3A_268, %sign3A_280 : i32
      %sign3A_282 = arith.extui %sign3A_281 : i1 to i32
      %sign3A_283 = arith.subi %sign3A_279, %sign3A_282 : i32
      %ne3A_284 = arith.cmpi ne, %sign3A_276, %sign3A_283 : i32
      %rem3A_285 = arith.remsi %add3A_267, %jit3A_268 : i32
      %ne3A_286 = arith.constant 0 : i32
      %ne3A_287 = arith.cmpi ne, %rem3A_285, %ne3A_286 : i32
      %and3A_288 = arith.andi %ne3A_284, %ne3A_287 : i1
      %sub3A_289 = arith.constant 1 : i32
      %sub3A_290 = arith.subi %div3A_269, %sub3A_289 : i32
      %select_n3A_291 = arith.select %and3A_288, %sub3A_290, %div3A_269 : i32
      %jit3A_292 = arith.constant 16 : i32
      %eq3A_293 = arith.constant 0 : i32
      %eq3A_294 = arith.cmpi eq, %jit3A_292, %eq3A_293 : i32
      %jit3A_295 = arith.constant 1 : i32
      %select_n3A_296 = arith.select %eq3A_294, %jit3A_295, %jit3A_292 : i32
      %rem3A_297 = arith.remsi %add3A_267, %select_n3A_296 : i32
      %ne3A_298 = arith.constant 0 : i32
      %ne3A_299 = arith.cmpi ne, %rem3A_297, %ne3A_298 : i32
      %lt3A_300 = arith.constant 0 : i32
      %lt3A_301 = arith.cmpi slt, %rem3A_297, %lt3A_300 : i32
      %lt3A_302 = arith.constant 0 : i32
      %lt3A_303 = arith.cmpi slt, %select_n3A_296, %lt3A_302 : i32
      %ne3A_304 = arith.xori %lt3A_301, %lt3A_303 : i1
      %and3A_305 = arith.andi %ne3A_304, %ne3A_299 : i1
      %add3A_306 = arith.addi %rem3A_297, %select_n3A_296 : i32
      %select_n3A_307 = arith.select %and3A_305, %add3A_306, %rem3A_297 : i32
      %lt3A_308 = arith.constant 8 : i32
      %lt3A_309 = arith.cmpi slt, %select_n3A_307, %lt3A_308 : i32
      %jit3A_310 = arith.constant 0 : i32
      %jit3A_311 = arith.constant 64 : i32
      %select_n3A_312 = arith.select %lt3A_309, %jit3A_310, %jit3A_311 : i32
      %mul3A_313 = arith.constant 1600 : i32
      %mul3A_314 = arith.muli %select_n3A_291, %mul3A_313 : i32
      %lt3A_315 = arith.constant 8 : i32
      %lt3A_316 = arith.cmpi slt, %select_n3A_307, %lt3A_315 : i32
      %sub3A_317 = arith.constant 8 : i32
      %sub3A_318 = arith.subi %select_n3A_307, %sub3A_317 : i32
      %select_n3A_319 = arith.select %lt3A_316, %select_n3A_307, %sub3A_318 : i32
      %mul3A_320 = arith.constant 200 : i32
      %mul3A_321 = arith.muli %select_n3A_319, %mul3A_320 : i32
      %add3A_322 = arith.addi %mul3A_314, %mul3A_321 : i32
      %dma_start3A_323 = tpu.memref_slice %arg5[%add3A_322, %select_n3A_312] : memref<409600x128xf32, #tpu.memory_space<hbm>> -> memref<200x64xf32, #tpu.memory_space<hbm>>
      %dma_start3A_324 = tpu.memref_slice %arg5[%add3A_322, %select_n3A_312] : memref<409600x128xf32, #tpu.memory_space<hbm>> -> memref<200x64xf32, #tpu.memory_space<hbm>>
      tpu.enqueue_dma source(%arg11 : memref<200x64xf32, #tpu.memory_space<vmem>>) target(%dma_start3A_324 : memref<200x64xf32, #tpu.memory_space<hbm>>) target_semaphore(%arg15 : memref<!tpu.dma_semaphore, #tpu.memory_space<semaphore_mem>>)
    }
    %scan3A_28 = arith.constant 64 : i32
    %add3A_29 = arith.constant 127 : i32
    %add3A_30 = arith.addi %mul3A_2, %add3A_29 : i32
    %jit3A = arith.constant 16 : i32
    %div3A = arith.divsi %add3A_30, %jit3A : i32
    %sign3A = arith.constant 0 : i32
    %sign3A_31 = arith.cmpi sgt, %add3A_30, %sign3A : i32
    %sign3A_32 = arith.extui %sign3A_31 : i1 to i32
    %sign3A_33 = arith.constant 0 : i32
    %sign3A_34 = arith.cmpi slt, %add3A_30, %sign3A_33 : i32
    %sign3A_35 = arith.extui %sign3A_34 : i1 to i32
    %sign3A_36 = arith.subi %sign3A_32, %sign3A_35 : i32
    %sign3A_37 = arith.constant 0 : i32
    %sign3A_38 = arith.cmpi sgt, %jit3A, %sign3A_37 : i32
    %sign3A_39 = arith.extui %sign3A_38 : i1 to i32
    %sign3A_40 = arith.constant 0 : i32
    %sign3A_41 = arith.cmpi slt, %jit3A, %sign3A_40 : i32
    %sign3A_42 = arith.extui %sign3A_41 : i1 to i32
    %sign3A_43 = arith.subi %sign3A_39, %sign3A_42 : i32
    %ne3A = arith.cmpi ne, %sign3A_36, %sign3A_43 : i32
    %rem3A = arith.remsi %add3A_30, %jit3A : i32
    %ne3A_44 = arith.constant 0 : i32
    %ne3A_45 = arith.cmpi ne, %rem3A, %ne3A_44 : i32
    %and3A = arith.andi %ne3A, %ne3A_45 : i1
    %sub3A = arith.constant 1 : i32
    %sub3A_46 = arith.subi %div3A, %sub3A : i32
    %select_n3A = arith.select %and3A, %sub3A_46, %div3A : i32
    %jit3A_47 = arith.constant 16 : i32
    %eq3A = arith.constant 0 : i32
    %eq3A_48 = arith.cmpi eq, %jit3A_47, %eq3A : i32
    %jit3A_49 = arith.constant 1 : i32
    %select_n3A_50 = arith.select %eq3A_48, %jit3A_49, %jit3A_47 : i32
    %rem3A_51 = arith.remsi %add3A_30, %select_n3A_50 : i32
    %ne3A_52 = arith.constant 0 : i32
    %ne3A_53 = arith.cmpi ne, %rem3A_51, %ne3A_52 : i32
    %lt3A = arith.constant 0 : i32
    %lt3A_54 = arith.cmpi slt, %rem3A_51, %lt3A : i32
    %lt3A_55 = arith.constant 0 : i32
    %lt3A_56 = arith.cmpi slt, %select_n3A_50, %lt3A_55 : i32
    %ne3A_57 = arith.xori %lt3A_54, %lt3A_56 : i1
    %and3A_58 = arith.andi %ne3A_57, %ne3A_53 : i1
    %add3A_59 = arith.addi %rem3A_51, %select_n3A_50 : i32
    %select_n3A_60 = arith.select %and3A_58, %add3A_59, %rem3A_51 : i32
    %lt3A_61 = arith.constant 8 : i32
    %lt3A_62 = arith.cmpi slt, %select_n3A_60, %lt3A_61 : i32
    %jit3A_63 = arith.constant 0 : i32
    %jit3A_64 = arith.constant 64 : i32
    %select_n3A_65 = arith.select %lt3A_62, %jit3A_63, %jit3A_64 : i32
    %mul3A_66 = arith.constant 1600 : i32
    %mul3A_67 = arith.muli %select_n3A, %mul3A_66 : i32
    %lt3A_68 = arith.constant 8 : i32
    %lt3A_69 = arith.cmpi slt, %select_n3A_60, %lt3A_68 : i32
    %sub3A_70 = arith.constant 8 : i32
    %sub3A_71 = arith.subi %select_n3A_60, %sub3A_70 : i32
    %select_n3A_72 = arith.select %lt3A_69, %select_n3A_60, %sub3A_71 : i32
    %mul3A_73 = arith.constant 200 : i32
    %mul3A_74 = arith.muli %select_n3A_72, %mul3A_73 : i32
    %add3A_75 = arith.addi %mul3A_67, %mul3A_74 : i32
    %dma_wait3A = tpu.memref_slice %arg5[%add3A_75, %select_n3A_65] : memref<409600x128xf32, #tpu.memory_space<hbm>> -> memref<200x64xf32, #tpu.memory_space<hbm>>
    %dma_wait3A_76 = tpu.memref_slice %arg5[%add3A_75, %select_n3A_65] : memref<409600x128xf32, #tpu.memory_space<hbm>> -> memref<200x64xf32, #tpu.memory_space<hbm>>
    tpu.wait_dma2 semaphore(%arg15 : memref<!tpu.dma_semaphore, #tpu.memory_space<semaphore_mem>>) src(%arg11 : memref<200x64xf32, #tpu.memory_space<vmem>>) dst(%dma_wait3A_76 : memref<200x64xf32, #tpu.memory_space<hbm>>)
    return
  }
}

</mosaic_0001>

<sc_bundles>
// kernel: _embed.3.cloned.1.call-start
scs
__scs_entry_jumppad:
0x0: {  	(pc) =	sbr.rel $0x88, $3  }
0x1: {  	(tag) =	ssettag $0x0;
	lr =	simm.s32 $0x1  }
0x2: {  	[smem:$0x3F9F] =	sst lr;
	_ =	strace $0xD0000000  }
0x3: {  	_ = 	snop  }
0x4: {  	_ = 	snop  }
0x5: {  	_ = 	snop  }
0x6: {  	_ = 	snop  }
0x7: {  	_ = 	snop  }
__scs_overlays_trampoline_lowered:
0x8: {  	[smem:$0x3FAE] =	sst s0  }
0x9: {  	[smem:$0x3FAF] =	sst s1  }
0xa: {  	[smem:$0x3FB0] =	sst s2  }
0xb: {  	[smem:$0x3FB1] =	sst s3  }
0xc: {  	[smem:$0x3FB2] =	sst s4  }
0xd: {  	[smem:$0x3FB3] =	sst s5  }
0xe: {  	[smem:$0x3FB4] =	sst s6  }
0xf: {  	[smem:$0x3FB5] =	sst s7  }
0x10: {  	[smem:$0x3FB6] =	sst s8  }
0x11: {  	[smem:$0x3FB7] =	sst s9;
	s0 =	simm.s32 @!p0 $0x0  }
0x12: {  	s1 =	sld [smem:$0x3F9D];
	s0 =	simm.s32 @p0 $0x1  }
0x13: {  	[smem:$0x3FB8] =	sst s0;
	s0 =	simm.s32 @!p1 $0x0  }
0x14: {  	s2 =	sld [smem:$0x3F9C];
	s0 =	simm.s32 @p1 $0x1  }
0x15: {  	[smem:$0x3FB9] =	sst s0;
	s0 =	simm.s32 @!p2 $0x0  }
0x16: {  	s3 =	sld [smem:$0x3FDB];
	s0 =	simm.s32 @p2 $0x1  }
0x17: {  	s4 =	simm.s32 $0x1BF5;
	[smem:$0x3FBB] =	sst s0  }
0x18: {  	s0 =	sld [smem:$0x3F9E];
	_ =	swait.ge [sflag:s4], $0x0  }
0x19: {  	s7 =	sld [smem:$0x3F9F]  }
0x1a: {  	s8 =	sadd.s32 $0xFFFFE003, lr  }
0x1b: {  	s9 =	sadd.s32 $0xFFFFFEF7, lr;
	s5 =	simm.s32 $0xFFFFFFFF;
	p2 =	slt.u32 s8, $0xFFFFF086  }
0x1c: {  	p1 =	slt.u32 s9, $0xF7A;
	s5 =	simm.s32 @!p2 $0x0  }
0x1d: {  	s5 =	simm.s32 @p1 $0x1;
	p0 =	seq.s32 s7, s2  }
0x1e: {  	s7 =	smul.u32 @!p0 $0xF7A, s2;
	p2 =	seq.s32 @!p0 s5, $0x0  }
0x1f: {  	s9 =	smul.u32 $0xF7A, s1;
	s8 =	simm.s32 @!p0 $0x1BF5;
	p2 =	por !p2, p0  }
0x20: {  	[sflag:s8] =	ssyncset.s32 @!p0 $0xFFFFF086;
	s6 =	sadd.s32 @!p0 s3, s7;
	s7 =	simm.s32 @!p0 $0x108  }
0x21: {  	s3 =	sadd.s32 s3, s9;
	s6 =	sadd.s32 @!p0 $0x88, s6;
	s7 =	simm.s32 @p2 $0x1082  }
0x22: {  	[simem:s7], [sflag:s8] =	dma.local @!p0 [hbm:s6], $0xF7A  }
0x23: {  	s9 =	sor.u32 $0xD0000000, s2;
	s6 =	simm.s32 $0x108;
	_ =	swait.ge @!p0 [sflag:s8], $0x0  }
0x24: {  	s3 =	sadd.s32 $0x88, s3;
	s6 =	simm.s32 @!p1 $0x1082;
	[sflag:s4] =	ssyncset.s32 $0xFFFFF086  }
0x25: {  	[simem:s6], [sflag:s4] =	dma.local [hbm:s3], $0xF7A  }
0x26: {  	[smem:$0x3F9F] =	sst s1;
	(tag) =	ssettag s2;
	_ =	strace s9  }
0x27: {  	s1 =	sld [smem:$0x3FAF]  }
0x28: {  	s2 =	sld [smem:$0x3FB0]  }
0x29: {  	s4 =	sld [smem:$0x3FB2]  }
0x2a: {  	p0 =	seq.s32 s5, $0x0;
	s5 =	sld [smem:$0x3FB3]  }
0x2b: {  	s6 =	sld [smem:$0x3FB4]  }
0x2c: {  	s7 =	sld [smem:$0x3FB5]  }
0x2d: {  	s3 =	simm.s32 $0x108;
	s8 =	sld [smem:$0x3FB6]  }
0x2e: {  	s3 =	simm.s32 @!p0 $0x1082;
	s9 =	sld [smem:$0x3FB7]  }
0x2f: {  	lr =	sadd.s32 s0, s3;
	s0 =	sld [smem:$0x3FAE]  }
0x30: {  	s3 =	sld [smem:$0x3FB1]  }
0x31: {  	[smem:$0x3FBA] =	sst s10  }
0x32: {  	s10 =	sld [smem:$0x3FB8];
	_ =	sdelay $0x3  }
0x33: {  	p0 =	seq.s32 s10, $0x1;
	s10 =	sld [smem:$0x3FBA];
	_ =	sdelay $0x3  }
0x34: {  	[smem:$0x3FBA] =	sst s10  }
0x35: {  	s10 =	sld [smem:$0x3FB9];
	_ =	sdelay $0x3  }
0x36: {  	p1 =	seq.s32 s10, $0x1;
	s10 =	sld [smem:$0x3FBA];
	_ =	sdelay $0x3  }
0x37: {  	[smem:$0x3FBA] =	sst s10  }
0x38: {  	s10 =	sld [smem:$0x3FBB]  }
0x39: {  	_ = 	snop;
	(pc) =	sbr.ind lr, $3  }
0x3a: {  	_ = 	snop  }
0x3b: {  	_ = 	snop  }
0x3c: {  	p2 =	seq.s32 s10, $0x1;
	s10 =	sld [smem:$0x3FBA]  }
0x3d: {  	_ =	shalt  }
0x3e: {  	_ =	shalt  }
0x3f: {  	_ =	shalt  }
0x40: {  	_ =	shalt  }
0x41: {  	_ =	shalt  }
0x42: {  	_ =	shalt  }
0x43: {  	_ =	shalt  }
0x44: {  	_ =	shalt  }
0x45: {  	_ =	shalt  }
0x46: {  	_ =	shalt  }
0x47: {  	_ =	shalt  }
0x48: {  	_ =	shalt  }
0x49: {  	_ =	shalt  }
0x4a: {  	_ =	shalt  }
0x4b: {  	_ =	shalt  }
0x4c: {  	_ =	shalt  }
0x4d: {  	_ =	shalt  }
0x4e: {  	_ =	shalt  }
0x4f: {  	_ =	shalt  }
0x50: {  	_ =	shalt  }
0x51: {  	_ =	shalt  }
0x52: {  	_ =	shalt  }
0x53: {  	_ =	shalt  }
0x54: {  	_ =	shalt  }
0x55: {  	_ =	shalt  }
0x56: {  	_ =	shalt  }
0x57: {  	_ =	shalt  }
0x58: {  	_ =	shalt  }
0x59: {  	_ =	shalt  }
0x5a: {  	_ =	shalt  }
0x5b: {  	_ =	shalt  }
0x5c: {  	_ =	shalt  }
0x5d: {  	_ =	shalt  }
0x5e: {  	_ =	shalt  }
0x5f: {  	_ =	shalt  }
0x60: {  	_ =	shalt  }
0x61: {  	_ =	shalt  }
0x62: {  	_ =	shalt  }
0x63: {  	_ =	shalt  }
0x64: {  	_ =	shalt  }
0x65: {  	_ =	shalt  }
0x66: {  	_ =	shalt  }
0x67: {  	_ =	shalt  }
0x68: {  	_ =	shalt  }
0x69: {  	_ =	shalt  }
0x6a: {  	_ =	shalt  }
0x6b: {  	_ =	shalt  }
0x6c: {  	_ =	shalt  }
0x6d: {  	_ =	shalt  }
0x6e: {  	_ =	shalt  }
0x6f: {  	_ =	shalt  }
0x70: {  	_ =	shalt  }
0x71: {  	_ =	shalt  }
0x72: {  	_ =	shalt  }
0x73: {  	_ =	shalt  }
0x74: {  	_ =	shalt  }
0x75: {  	_ =	shalt  }
0x76: {  	_ =	shalt  }
0x77: {  	_ =	shalt  }
0x78: {  	_ =	shalt  }
0x79: {  	_ =	shalt  }
0x7a: {  	_ =	shalt  }
0x7b: {  	_ =	shalt  }
0x7c: {  	_ =	shalt  }
0x7d: {  	_ =	shalt  }
0x7e: {  	_ =	shalt  }
0x7f: {  	_ =	shalt  }
0x80: {  	_ =	shalt  }
0x81: {  	_ =	shalt  }
0x82: {  	_ =	shalt  }
0x83: {  	_ =	shalt  }
0x84: {  	_ =	shalt  }
0x85: {  	_ =	shalt  }
0x86: {  	_ =	shalt  }
0x87: {  	_ =	shalt  }
.Lfunc_end0:
.L_simem_size_0:
called_computation.3_lowered:
.L_overlay_start_0:
0x88: {  	s2 =	sld [smem:$0x3FD9]  }
0x89: {  	s3 =	sld [smem:$0x3FFE];
	_ =	sdelay $0x1  }
0x8a: {  	s1 =	srdreg.scid  }
0x8b: {  	s0 =	sand.u32 $0x1, s1  }
0x8c: {  	s17 =	sshll.u32 s0, $0xA;
	s2 =	sadd.s32 s3, s2  }
0x8d: {  	s2 =	sadd.s32 s2, s17  }
0x8e: {  	[smem:$0x3FC6] =	sst s2  }
0x8f: {  	_ = 	snop  }
0x90: {  	s2 =	sld [smem:$0x3FD0];
	(tm) =	ssettm $0x1  }
0x91: {  	s18 =	sld [smem:$0x3FFB];
	_ =	sdelay $0x3  }
0x92: {  	_ =	strace s18  }
0x93: {  	s3 =	sld [smem:$0x3FFC];
	_ =	sdelay $0x3  }
0x94: {  	_ =	strace s3  }
0x95: {  	s3 =	sld [smem:$0x3FFD];
	_ =	sdelay $0x3  }
0x96: {  	_ =	strace s3  }
0x97: {  	_ =	strace $0x8FFFFFFF  }
0x98: {  	s19 =	sld [smem:$0x3FDB];
	_ =	sdelay $0x1  }
0x99: {  	s4 =	simm.s32 $_scs_section_size  }
0x9a: {  	s5 =	simm.s32 $_size__tile_overlayer_lowered;
	s6 =	simm.s32 $_tile_overlayer_lowered  }
0x9b: {  	s22 =	simm.s32 $0x1BFF;
	s21 =	sshll.u32 s6, $0x1;
	s3 =	sadd.s32 s4, s19  }
0x9c: {  	s7 =	simm.s32 $0x0;
	s20 =	sshll.u32 s5, $0x1;
	s5 =	sadd.s32 s21, s3  }
0x9d: {  	[timem:s7], [sflag:s22] =	dma.local [hbm:s5], s20  }
0x9e: {  	_ =	swait.ge [sflag:s22], s20  }
0x9f: {  	s4 =	ssub.s32 $0x0, s20;
	[sflag:s22] =	ssyncset.done $0x0  }
0xa0: {  	[sflag:s22] =	ssyncadd.s32 s4;
	_ =	sdelay $0x1  }
0xa1: {  	s23 =	simm.s32 $0x1B8B  }
0xa2: {  	_ =	swait.ge [sflag:s23], $0x1  }
0xa3: {  	[sflag:s23] =	ssyncset.done $0x0  }
0xa4: {  	s25 =	simm.s32 $0x1B8E;
	s24 =	sld [smem:$0x3FFE];
	[sflag:s23] =	ssyncadd.s32 $0xFFFFFFFF  }
0xa5: {  	s26 =	simm.s32 $execute0_lowered;
	[smem:$0x3FD2] =	sst s25  }
0xa6: {  	s5 =	sshll.u32 s26, $0x1;
	_ =	strace $0x80000046;
	[dreg:$0x1] =	wrdreg $0xFFFFFFFF  }
0xa7: {  	s28 =	simm.s32 $_size_execute0_lowered;
	s3 =	sadd.s32 s3, s5;
	[dreg:$0x0] =	wrdreg $0x0  }
0xa8: {  	s5 =	sshll.u32 s28, $0x1;
	[dreg:$0x2] =	wrdreg s3  }
0xa9: {  	[dreg:$0x3] =	wrdreg s5  }
0xaa: {  	[dreg:$0x4] =	wrdreg $0xC0  }
0xab: {  	_ =	task [dreg:s7], $0x5FFFF  }
0xac: {  	[dreg:$0x1] =	wrdreg $0xFFFFFFFF  }
0xad: {  	[dreg:$0x0] =	wrdreg $0x60  }
0xae: {  	[dreg:$0x2] =	wrdreg s2  }
0xaf: {  	[dreg:$0x3] =	wrdreg s24  }
0xb0: {  	[dreg:$0x4] =	wrdreg $0x9  }
0xb1: {  	_ =	task.clear_ibuf [dreg:s7], $0x5FFFF;
	_ =	strace $0x90000046  }
0xb2: {  	s29 =	simm.s32 $0x9;
	_ =	strace $0x80000048  }
0xb3: {  	_ =	swait.ge [sflag:s29], $0x1  }
0xb4: {  	[sflag:s29] =	ssyncadd.s32 $0xFFFFFFFF  }
0xb5: {  	_ =	strace $0x90000048  }
0xb6: {  	_ =	sfence  }
0xb7: {  	s30 =	sld [smem:$0x0];
	_ =	sdelay $0x2  }
0xb8: {  	s31 =	sshll.u32 s1, $0xD;
	s1 =	sshrl.u32 s1, $0x2  }
0xb9: {  	s3 =	sand.u32 $0x4000, s31;
	s1 =	sadd.s32 s1, s30  }
0xba: {  	s0 =	sor.u32 s3, s0;
	s1 =	sshll.u32 s1, $0x11  }
0xbb: {  	s0 =	sor.u32 s1, s0  }
0xbc: {  	s0 =	sadd.s32 $0x8F2B, s0  }
0xbd: {  	[sflag:s0] =	ssyncadd.remote.s32 $0x1  }
0xbe: {  	_ =	sfence.sel $0xFFFF  }
0xbf: {  	[dreg:$0x0] =	wrdreg $0xFFFFFFFF;
	(pc) =	sbr.abs _section_cstart, $3  }
0xc0: {  	[dreg:$0x1] =	wrdreg $0xFFFFFFFF  }
0xc1: {  	_ =	task.clear_ibuf [dreg:s7], $0x2FFFF;
	_ =	strace $0x9FFFFFFF  }
0xc2: {  	(tm) =	ssettm $0x7FFFFFFF  }
0xc3: {  	_ =	shalt  }
tec
execute0_lowered:
.L_overlay_start_1:
0x0: {  	(tag) =	ssettag $0x1  }
0x1: {  	s1 =	srdreg.scid;
	s6 =	rddreg [dreg:$0x0]  }
0x2: {  	s0 =	stileid.u32;
	s5 =	rddreg [dreg:$0x1];
	s2 =	simm.s32 $0x0  }
0x3: {  	s13 =	simm.s32 $0x10000;
	s14 =	simm.s32 $0x48;
	s15 =	simm.s32 $0xC038  }
0x4: {  	s18 =	simm.s32 $0x15200;
	s16 =	simm.s32 $0x12000;
	s17 =	simm.s32 $0x13200  }
0x5: {  	s19 =	simm.s32 $0x40;
	s20 =	simm.s32 $0x3;
	s21 =	simm.s32 $0x2  }
0x6: {  	s22 =	simm.s32 $0x4;
	s23 =	simm.s32 $0x0;
	s7 =	sand.u32 $0x1, s1  }
0x7: {  	s3 =	sshll.u32 s0, $0x8;
	[smem:$0x7FF] =	sst s2;
	s30 =	sshll.u32 s0, $0x11  }
0x8: {  	s4 =	sshll.u32 s7, $0x7;
	s9 =	ssub.s32 $0x2, s7;
	_ =	strace $0x80000047  }
0x9: {  	s12 =	sshll.u32 s7, $0x10;
	[dreg:$0x3] =	wrdreg s18;
	s18 =	simm.s32 $0x1  }
0xa: {  	s3 =	sor.u32 s4, s3;
	s11 =	sshrl.u32 s9, $0x1;
	s4 =	sadd.s32 $0xF53800, s5  }
0xb: {  	s31 =	sor.u32 s12, s30;
	s12 =	simm.s32 $0x8000;
	s8 =	sshll.u32 s3, $0x4  }
0xc: {  	s9 =	ssub.s32 s9, s11;
	[dreg:$0x4] =	wrdreg s31;
	s11 =	simm.s32 $0x80  }
0xd: {  	s10 =	sadd.s32 s8, s5;
	s5 =	sadd.s32 $0x11400, s5;
	s6 =	sadd.s32 s6, s8  }
0xe: {  	s8 =	smax.u32 s9, $0x1;
	s9 =	simm.s32 $0x5;
	s7 =	sadd.s32 $0x1400, s10  }
.LBB2_1:
0xf: {  	[tilespmem:s2], [sflag:$0x5] =	stream.linear.gather [hbm4b:s6+s2], $0x4000, $0x38;
	[tilespmem:$0x16400] =	vst v63  }
0x10: {  	_ =	swait.ge [sflag:s9], $0x4000  }
0x11: {  	[sflag:s9] =	ssyncset.done $0x0  }
0x12: {  	s0 =	simm.s32 $0x4000;
	[sflag:s9] =	ssyncadd.s32 $0xFFFFC000  }
0x13: {  	[tilespmem:s0], [sflag:$0x5] =	stream.linear.gather [hbm4b:s7+s2], $0x4000, $0x38;
	[tilespmem:$0x16400] =	vst v63  }
0x14: {  	_ =	swait.ge [sflag:s9], $0x4000  }
0x15: {  	[sflag:s9] =	ssyncset.done $0x0  }
0x16: {  	s24 =	simm.s32 $0x20;
	[sflag:s9] =	ssyncadd.s32 $0xFFFFC000  }
0x17: {  	v0 =	vld [tilespmem:s24+$0x10];
	_ =	sdelay $0x2  }
0x18: {  	v3 =	vld [tilespmem:s24+$0x0]  }
0x19: {  	v1 =	vld [tilespmem:s24+$0xFFFFFFE0]  }
0x1a: {  	s25 =	simm.s32 $0x60;
	v2 =	vld [tilespmem:s24+$0xFFFFFFF0];
	v0 =	vtrunc.f32 v0  }
0x1b: {  	v4 =	vld [tilespmem:s25+$0x10];
	v0 =	vcvt.f32.s32 v0  }
0x1c: {  	s30 =	simm.s32 $0x8020;
	v5 =	vld [tilespmem:s25+$0xFFFFFFF0]  }
0x1d: {  	s26 =	simm.s32 $0x4020;
	v3 =	vtrunc.f32 v3;
	[tilespmem:s30+$0x10] =	vst v0  }
0x1e: {  	v3 =	vcvt.f32.s32 v3;
	v0 =	vtrunc.f32 v1;
	v1 =	vld [tilespmem:s26+$0x10]  }
0x1f: {  	v7 =	vld [tilespmem:s25+$0xFFFFFFE0];
	v2 =	vtrunc.f32 v2;
	v0 =	vcvt.f32.s32 v0  }
0x20: {  	v6 =	vld [tilespmem:s25+$0x0];
	v2 =	vcvt.f32.s32 v2;
	[tilespmem:s30+$0x0] =	vst v3  }
0x21: {  	[tilespmem:s30+$0xFFFFFFE0] =	vst v0;
	v0 =	vtrunc.f32 v4;
	v4 =	vtrunc.f32 v5;
	v5 =	vld [tilespmem:s26+$0x0]  }
0x22: {  	s28 =	simm.s32 $0xA0;
	[tilespmem:s30+$0xFFFFFFF0] =	vst v2;
	v2 =	vld [tilespmem:s26+$0xFFFFFFE0];
	v0 =	vcvt.f32.s32 v0  }
0x23: {  	s31 =	simm.s32 $0x8060;
	v8 =	vld [tilespmem:s28+$0x10];
	v1 =	vtrunc.f32 v1  }
0x24: {  	v3 =	vld [tilespmem:s26+$0xFFFFFFF0];
	[tilespmem:s31+$0x10] =	vst v0;
	v0 =	vtrunc.f32 v7;
	v1 =	vcvt.f32.s32 v1  }
0x25: {  	s24 =	simm.s32 $0xC020;
	s25 =	simm.s32 $0x4060;
	v6 =	vtrunc.f32 v6;
	v0 =	vcvt.f32.s32 v0  }
0x26: {  	v6 =	vcvt.f32.s32 v6;
	v4 =	vcvt.f32.s32 v4;
	v7 =	vld [tilespmem:s25+$0x10];
	[tilespmem:s24+$0x10] =	vst v1  }
0x27: {  	v9 =	vld [tilespmem:s28+$0xFFFFFFF0];
	v1 =	vtrunc.f32 v2;
	[tilespmem:s31+$0xFFFFFFE0] =	vst v0;
	v0 =	vtrunc.f32 v5  }
0x28: {  	[tilespmem:s31+$0x0] =	vst v6;
	v2 =	vld [tilespmem:s28+$0x0];
	v5 =	vtrunc.f32 v8;
	v6 =	vcvt.f32.s32 v1  }
0x29: {  	[tilespmem:s31+$0xFFFFFFF0] =	vst v4;
	v4 =	vld [tilespmem:s28+$0xFFFFFFE0];
	v1 =	vtrunc.f32 v3;
	v8 =	vcvt.f32.s32 v0  }
0x2a: {  	v3 =	vcvt.f32.s32 v1;
	v1 =	vld [tilespmem:s25+$0xFFFFFFE0];
	[tilespmem:s24+$0xFFFFFFE0] =	vst v6  }
0x2b: {  	v0 =	vld [tilespmem:s25+$0xFFFFFFF0];
	v6 =	vcvt.f32.s32 v5;
	v5 =	vtrunc.f32 v7;
	[tilespmem:s24+$0x0] =	vst v8  }
0x2c: {  	s29 =	simm.s32 $0xE0;
	s26 =	simm.s32 $0x80A0;
	s28 =	simm.s32 $0x8;
	v7 =	vtrunc.f32 v9;
	[tilespmem:s24+$0xFFFFFFF0] =	vst v3;
	v3 =	vld [tilespmem:s25+$0x0];
	v5 =	vcvt.f32.s32 v5  }
.LBB2_2:
0x2d: {  	v8 =	vld [tilespmem:s29+$0x10];
	s28 =	sadd.s32 $0x4, s28;
	v7 =	vcvt.f32.s32 v7;
	v2 =	vtrunc.f32 v2;
	[tilespmem:s26+$0x10] =	vst v6;
	s25 =	sadd.s32 $0x40, s25;
	s24 =	sadd.s32 $0x40, s24  }
0x2e: {  	p0 =	slt.u32 s28, $0x3FC;
	v4 =	vtrunc.f32 v4;
	v6 =	vcvt.f32.s32 v2;
	v9 =	vld [tilespmem:s25+$0x10];
	[tilespmem:s24+$0x10] =	vst v5  }
0x2f: {  	v5 =	vld [tilespmem:s29+$0xFFFFFFF0];
	v10 =	vcvt.f32.s32 v4;
	[tilespmem:s26+$0xFFFFFFF0] =	vst v7;
	v1 =	vtrunc.f32 v1  }
.Ltmp0:
0x30: {  	v2 =	vld [tilespmem:s29+$0x0];
	[tilespmem:s26+$0x0] =	vst v6;
	v6 =	vcvt.f32.s32 v1;
	v0 =	vtrunc.f32 v0;
	(pc) =	sbr.rel @p0 .LBB2_2-.Ltmp0, $4  }
0x31: {  	v4 =	vld [tilespmem:s29+$0xFFFFFFE0];
	[tilespmem:s26+$0xFFFFFFE0] =	vst v10;
	v7 =	vcvt.f32.s32 v0;
	v0 =	vtrunc.f32 v3  }
0x32: {  	v3 =	vtrunc.f32 v8;
	v1 =	vld [tilespmem:s25+$0xFFFFFFE0];
	[tilespmem:s24+$0xFFFFFFE0] =	vst v6;
	v8 =	vcvt.f32.s32 v0  }
0x33: {  	v6 =	vcvt.f32.s32 v3;
	v0 =	vld [tilespmem:s25+$0xFFFFFFF0];
	v9 =	vtrunc.f32 v9;
	[tilespmem:s24+$0xFFFFFFF0] =	vst v7  }
0x34: {  	s29 =	sadd.s32 $0x40, s29;
	s26 =	sadd.s32 $0x40, s26;
	v7 =	vtrunc.f32 v5;
	v3 =	vld [tilespmem:s25+$0x0];
	v5 =	vcvt.f32.s32 v9;
	[tilespmem:s24+$0x0] =	vst v8  }
0x35: {  	v7 =	vcvt.f32.s32 v7;
	v2 =	vtrunc.f32 v2  }
0x36: {  	[tilespmem:s26+$0x10] =	vst v6;
	s25 =	sadd.s32 $0x40, s25;
	v4 =	vtrunc.f32 v4;
	v2 =	vcvt.f32.s32 v2  }
0x37: {  	v6 =	vld [tilespmem:s25+$0x10];
	v4 =	vcvt.f32.s32 v4;
	[tilespmem:s26+$0xFFFFFFF0] =	vst v7  }
0x38: {  	[tilespmem:s26+$0x0] =	vst v2;
	v54 =	vld [tilespmem:s25+$0xFFFFFFF0]  }
0x39: {  	v1 =	vtrunc.f32 v1;
	[tilespmem:s26+$0xFFFFFFE0] =	vst v4;
	v55 =	vld [tilespmem:s25+$0x0]  }
0x3a: {  	s24 =	sadd.s32 $0x40, s24;
	v1 =	vcvt.f32.s32 v1;
	v0 =	vtrunc.f32 v0;
	v4 =	vld [tilespmem:s25+$0xFFFFFFE0]  }
0x3b: {  	[tilespmem:s24+$0x10] =	vst v5;
	v0 =	vcvt.f32.s32 v0;
	v3 =	vtrunc.f32 v3  }
0x3c: {  	[tilespmem:s24+$0xFFFFFFE0] =	vst v1;
	v56 =	vcvt.f32.s32 v3;
	v57 =	vtrunc.f32 v6  }
0x3d: {  	[tilespmem:s24+$0xFFFFFFF0] =	vst v0;
	v58 =	vcvt.f32.s32 v57;
	v2 =	vtrunc.f32 v54  }
0x3e: {  	[tilespmem:s24+$0x0] =	vst v56;
	s24 =	sadd.s32 $0x40, s24;
	v61 =	vcvt.f32.s32 v2;
	v62 =	vtrunc.f32 v55  }
0x3f: {  	[tilespmem:s24+$0x10] =	vst v58;
	v59 =	vtrunc.f32 v4;
	v63 =	vcvt.f32.s32 v62  }
0x40: {  	v60 =	vcvt.f32.s32 v59;
	[tilespmem:s24+$0xFFFFFFF0] =	vst v61  }
0x41: {  	[tilespmem:s24+$0x0] =	vst v63  }
0x42: {  	p0 =	por $0x1, $0x1;
	[tilespmem:s24+$0xFFFFFFE0] =	vst v60  }
0x43: {  	[tilespmem:s13], [sflag:$0x1] =	stream.indirect.gather [hbm4b:s4+s11], $0x40, s12, s11, $0xb8;
	[tilespmem:$0x16400] =	vst v63  }
0x44: {  	s24 =	simm.s32 @!p0 $0x4  }
0x45: {  	[tilespmem:s16], [sflag:$0x1] =	stream.indirect.gather [hbm4b:s4+s14], $0x40, s15, s14, $0xb8;
	[tilespmem:$0x16400] =	vst v63  }
0x46: {  	_ =	swait.ge @!p0 [sflag:s24], $0x3200  }
0x47: {  	[sflag:s24] =	ssyncset.done @!p0 $0x0  }
0x48: {  	s29 =	simm.s32 $0x8080;
	[sflag:s24] =	ssyncadd.s32 @!p0 $0xFFFFCE00  }
0x49: {  	[tilespmem:s17], [sflag:$0x2] =	stream.indirect.gather [hbm4b:s4+s11], $0x40, s29, s11, $0xb8;
	[tilespmem:$0x16400] =	vst v63  }
0x4a: {  	s0 =	simm.s32 $0xC0B8;
	s31 =	rddreg [dreg:$0x3]  }
0x4b: {  	[tilespmem:s31], [sflag:$0x2] =	stream.indirect.gather [hbm4b:s4+s14], $0x40, s0, s14, $0xb8;
	[tilespmem:$0x16400] =	vst v63  }
0x4c: {  	_ =	swait.ge [sflag:s18], $0x2000  }
0x4d: {  	[sflag:s18] =	ssyncset.done $0x0  }
0x4e: {  	[sflag:s18] =	ssyncadd.s32 $0xFFFFE000  }
0x4f: {  	_ =	swait.ge [sflag:s18], $0x1200  }
0x50: {  	s10 =	simm.s32 $0x0;
	s1 =	rddreg [dreg:$0x4]  }
0x51: {  	s31 =	sand.u32 $0xE, s10;
	s24 =	sadd.s32 $0x0, s1  }
0x52: {  	p1 =	sne.s32 s31, $0x0;
	p6 =	seq.s32 s24, $0x0  }
0x53: {  	s28 =	sadd.s32 $0x0, s3;
	p0 =	por !p6, !p1  }
0x54: {  	s29 =	simm.s32 $0x1;
	s0 =	sadd.s32 $0xFFFFFFF8, s31;
	p0 =	por !p0, !p0  }
0x55: {  	s1 =	sshrl.u32 s28, $0x4;
	s24 =	smin.u32 s31, s0;
	s29 =	simm.s32 @!p0 $0x0  }
0x56: {  	s24 =	smul.u32 $0xC8, s24;
	s28 =	ssub.s32 s1, s29  }
0x57: {  	s28 =	smul.u32 $0x640, s28;
	_ =	sdelay $0x1  }
0x58: {  	s24 =	sadd.s32 s24, s28  }
0x59: {  	s25 =	sand.u32 $0x40, s10;
	s24 =	sshll.u32 s24, $0x7  }
0x5a: {  	[sflag:s18] =	ssyncset.done $0x0;
	s28 =	simm.s32 $0x1;
	s24 =	sor.u32 s25, s24  }
0x5b: {  	[sflag:s18] =	ssyncadd.s32 $0xFFFFEE00;
	s28 =	sand.u32 $0xF, s28;
	s24 =	sshrl.u32 s24, $0x3  }
0x5c: {  	s26 =	smul.u32 $0x640, s1;
	s10 =	sadd.s32 $0xFFFFFFF8, s28;
	s24 =	sadd.s32 s5, s24  }
0x5d: {  	[hbm4b:s24+s19] =	stream.strided.scatter [tilespmem:s13], [sflag:$0x3], $0x3200, s11, s19, $0x38;
	[tilespmem:$0x16400] =	vst v63  }
0x5e: {  	p0 =	por $0x0, $0x0;
	s29 =	smin.u32 s28, s10;
	_ =	swait.ge [sflag:s20], $0x3200  }
0x5f: {  	s30 =	simm.s32 @!p0 $0x80;
	s28 =	smul.u32 $0xC8, s29;
	[sflag:s20] =	ssyncset.done $0x0  }
0x60: {  	s29 =	simm.s32 @!p0 $0x8100;
	s24 =	simm.s32 @!p0 $0x10000;
	[sflag:s20] =	ssyncadd.s32 $0xFFFFCE00  }
0x61: {  	[tilespmem:s24], [sflag:$0x1] =	stream.indirect.gather @!p0 [hbm4b:s4+s30], $0x40, s29, s30, $0xb8;
	[tilespmem:$0x16400] =	vst v63  }
0x62: {  	s24 =	simm.s32 @!p0 $0xC138;
	s29 =	simm.s32 @!p0 $0x48;
	s30 =	simm.s32 @!p0 $0x12000  }
0x63: {  	[tilespmem:s30], [sflag:$0x1] =	stream.indirect.gather @!p0 [hbm4b:s4+s29], $0x40, s24, s29, $0xb8;
	[tilespmem:$0x16400] =	vst v63  }
0x64: {  	p1 =	por $0x0, $0x0;
	s26 =	sadd.s32 s26, s28;
	_ =	swait.ge [sflag:s21], $0x2000  }
0x65: {  	s28 =	simm.s32 $0x800;
	s26 =	sshll.u32 s26, $0x7;
	[sflag:s21] =	ssyncset.done $0x0  }
0x66: {  	s26 =	sor.u32 s25, s26;
	s25 =	simm.s32 $0x10;
	[sflag:s21] =	ssyncadd.s32 $0xFFFFE000  }
0x67: {  	s31 =	sshrl.u32 s26, $0x3;
	s26 =	simm.s32 $0x2;
	_ =	swait.ge [sflag:s21], $0x1200  }
0x68: {  	s24 =	simm.s32 $0x400;
	s30 =	sadd.s32 s5, s31;
	[sflag:s21] =	ssyncset.done $0x0  }
.LBB2_4:
0x69: {  	s31 =	simm.s32 @!p1 $0x4;
	[sflag:s21] =	ssyncadd.s32 $0xFFFFEE00  }
0x6a: {  	[hbm4b:s30+s19] =	stream.strided.scatter [tilespmem:s17], [sflag:$0x4], $0x3200, s11, s19, $0x38;
	[tilespmem:$0x16400] =	vst v63  }
0x6b: {  	_ =	swait.ge @!p1 [sflag:s31], $0x3200  }
0x6c: {  	s30 =	sshra.s32 s24, $0x2;
	[sflag:s31] =	ssyncset.done @!p1 $0x0  }
0x6d: {  	s10 =	sadd.s32 $0x8080, s30;
	[sflag:s31] =	ssyncadd.s32 @!p1 $0xFFFFCE00  }
0x6e: {  	[tilespmem:s17], [sflag:$0x2] =	stream.indirect.gather [hbm4b:s4+s11], $0x40, s10, s11, $0xb8;
	[tilespmem:$0x16400] =	vst v63  }
0x6f: {  	s30 =	sadd.s32 $0xC0B8, s30;
	s1 =	rddreg [dreg:$0x3]  }
0x70: {  	[tilespmem:s1], [sflag:$0x2] =	stream.indirect.gather [hbm4b:s4+s14], $0x40, s30, s14, $0xb8;
	[tilespmem:$0x16400] =	vst v63  }
0x71: {  	_ =	swait.ge [sflag:s18], $0x2000  }
0x72: {  	[sflag:s18] =	ssyncset.done $0x0  }
0x73: {  	[sflag:s18] =	ssyncadd.s32 $0xFFFFE000  }
0x74: {  	_ =	swait.ge [sflag:s18], $0x1200  }
0x75: {  	s31 =	rddreg [dreg:$0x4]  }
0x76: {  	s30 =	sand.u32 $0xE, s26;
	s1 =	sadd.s32 s24, s31  }
0x77: {  	p2 =	sne.s32 s30, $0x0;
	s0 =	sadd.s32 $0xFFFFFFF8, s30;
	p6 =	seq.s32 s1, $0x0  }
0x78: {  	s1 =	smin.u32 s30, s0;
	p1 =	por !p6, !p2  }
0x79: {  	s30 =	sadd.s32 s26, s3;
	s0 =	simm.s32 $0x1;
	p1 =	por !p1, !p1  }
0x7a: {  	s30 =	sshrl.u32 s30, $0x4;
	s0 =	simm.s32 @!p1 $0x0  }
0x7b: {  	s10 =	sadd.s32 $0x1, s26;
	s1 =	smul.u32 $0xC8, s1;
	s0 =	ssub.s32 s30, s0  }
0x7c: {  	s31 =	sand.u32 $0xF, s10;
	s0 =	smul.u32 $0x640, s0  }
0x7d: {  	s29 =	smov.u32 s28;
	s10 =	sadd.s32 $0xFFFFFFF8, s31  }
0x7e: {  	s28 =	sadd.s32 $0x400, s28;
	s10 =	smin.u32 s31, s10;
	s0 =	sadd.s32 s1, s0  }
0x7f: {  	s31 =	sand.u32 $0x40, s25;
	s10 =	smul.u32 $0xC8, s10;
	s0 =	sshll.u32 s0, $0x7  }
0x80: {  	[sflag:s18] =	ssyncset.done $0x0;
	s30 =	smul.u32 $0x640, s30;
	s0 =	sor.u32 s31, s0  }
0x81: {  	p0 =	sne.s32 s28, $0x10000;
	[sflag:s18] =	ssyncadd.s32 $0xFFFFEE00;
	s0 =	sshrl.u32 s0, $0x3  }
0x82: {  	p1 =	seq.s32 s24, $0xFC00;
	s10 =	sadd.s32 s30, s10;
	s0 =	sadd.s32 s5, s0  }
0x83: {  	[hbm4b:s0+s19] =	stream.strided.scatter [tilespmem:s13], [sflag:$0x3], $0x3200, s11, s19, $0x38;
	[tilespmem:$0x16400] =	vst v63  }
0x84: {  	s30 =	simm.s32 @!p1 $0x80;
	s10 =	sshll.u32 s10, $0x7;
	_ =	swait.ge [sflag:s20], $0x3200  }
0x85: {  	s1 =	sor.u32 s31, s10;
	s0 =	sshra.s32 @!p1 s24, $0x2;
	[sflag:s20] =	ssyncset.done $0x0  }
0x86: {  	s10 =	simm.s32 @!p1 $0x10000;
	s24 =	sadd.s32 @!p1 $0x8100, s0;
	[sflag:s20] =	ssyncadd.s32 $0xFFFFCE00  }
0x87: {  	[tilespmem:s10], [sflag:$0x1] =	stream.indirect.gather @!p1 [hbm4b:s4+s30], $0x40, s24, s30, $0xb8;
	[tilespmem:$0x16400] =	vst v63  }
0x88: {  	s0 =	sadd.s32 @!p1 $0xC138, s0;
	s10 =	simm.s32 @!p1 $0x48;
	s24 =	simm.s32 @!p1 $0x12000  }
0x89: {  	[tilespmem:s24], [sflag:$0x1] =	stream.indirect.gather @!p1 [hbm4b:s4+s10], $0x40, s0, s10, $0xb8;
	[tilespmem:$0x16400] =	vst v63  }
.Ltmp1:
0x8a: {  	_ =	swait.ge [sflag:s21], $0x2000;
	(pc) =	sbr.rel @p0 .LBB2_4-.Ltmp1, $4  }
0x8b: {  	[sflag:s21] =	ssyncset.done $0x0  }
0x8c: {  	s26 =	sadd.s32 $0x2, s26;
	s25 =	sadd.s32 $0x10, s25;
	[sflag:s21] =	ssyncadd.s32 $0xFFFFE000  }
0x8d: {  	s31 =	sshrl.u32 s1, $0x3;
	s24 =	smov.u32 s29;
	_ =	swait.ge [sflag:s21], $0x1200  }
0x8e: {  	s30 =	sadd.s32 s5, s31;
	p1 =	seq.s32 s24, $0x0;
	[sflag:s21] =	ssyncset.done $0x0  }
0x8f: {  	s0 =	simm.s32 @!p1 $0x4;
	[sflag:s21] =	ssyncadd.s32 $0xFFFFEE00  }
0x90: {  	[hbm4b:s30+s19] =	stream.strided.scatter [tilespmem:s17], [sflag:$0x4], $0x3200, s11, s19, $0x38;
	[tilespmem:$0x16400] =	vst v63  }
0x91: {  	_ =	swait.ge @!p1 [sflag:s0], $0x3200  }
0x92: {  	s1 =	sshra.s32 s24, $0x2;
	[sflag:s0] =	ssyncset.done @!p1 $0x0  }
0x93: {  	s30 =	sadd.s32 $0x8080, s1;
	[sflag:s0] =	ssyncadd.s32 @!p1 $0xFFFFCE00  }
0x94: {  	[tilespmem:s17], [sflag:$0x2] =	stream.indirect.gather [hbm4b:s4+s11], $0x40, s30, s11, $0xb8;
	[tilespmem:$0x16400] =	vst v63  }
0x95: {  	s31 =	sadd.s32 $0xC0B8, s1;
	s10 =	rddreg [dreg:$0x3]  }
0x96: {  	[tilespmem:s10], [sflag:$0x2] =	stream.indirect.gather [hbm4b:s4+s14], $0x40, s31, s14, $0xb8;
	[tilespmem:$0x16400] =	vst v63  }
0x97: {  	_ =	swait.ge [sflag:s18], $0x2000  }
0x98: {  	[sflag:s18] =	ssyncset.done $0x0  }
0x99: {  	[sflag:s18] =	ssyncadd.s32 $0xFFFFE000  }
0x9a: {  	_ =	swait.ge [sflag:s18], $0x1200  }
0x9b: {  	s1 =	rddreg [dreg:$0x4]  }
0x9c: {  	s10 =	sand.u32 $0xE, s26;
	s0 =	sadd.s32 s24, s1  }
0x9d: {  	p6 =	sne.s32 s10, $0x0;
	p0 =	seq.s32 s0, $0x0  }
0x9e: {  	s28 =	simm.s32 $0x1;
	p0 =	por !p0, !p6  }
0x9f: {  	s30 =	sadd.s32 s26, s3;
	s29 =	sadd.s32 $0xFFFFFFF8, s10;
	p0 =	por !p0, !p0  }
0xa0: {  	s31 =	sshrl.u32 s30, $0x4;
	s0 =	smin.u32 s10, s29;
	s28 =	simm.s32 @!p0 $0x0  }
0xa1: {  	s0 =	smul.u32 $0xC8, s0;
	s10 =	ssub.s32 s31, s28  }
0xa2: {  	s10 =	smul.u32 $0x640, s10;
	_ =	sdelay $0x1  }
0xa3: {  	s0 =	sadd.s32 s0, s10  }
0xa4: {  	s25 =	sand.u32 $0x40, s25;
	[sflag:s18] =	ssyncset.done $0x0;
	s0 =	sshll.u32 s0, $0x7  }
0xa5: {  	s1 =	smul.u32 $0x640, s31;
	s29 =	sadd.s32 $0x1, s26;
	s0 =	sor.u32 s25, s0  }
0xa6: {  	[sflag:s18] =	ssyncadd.s32 $0xFFFFEE00;
	s10 =	sand.u32 $0xF, s29;
	s0 =	sshrl.u32 s0, $0x3  }
0xa7: {  	p0 =	seq.s32 s24, $0xFC00;
	s30 =	sadd.s32 $0xFFFFFFF8, s10;
	s0 =	sadd.s32 s5, s0  }
0xa8: {  	[hbm4b:s0+s19] =	stream.strided.scatter [tilespmem:s13], [sflag:$0x3], $0x3200, s11, s19, $0x38;
	[tilespmem:$0x16400] =	vst v63  }
0xa9: {  	s28 =	simm.s32 @!p0 $0x80;
	s10 =	smin.u32 s10, s30;
	_ =	swait.ge [sflag:s20], $0x3200  }
0xaa: {  	s31 =	smul.u32 $0xC8, s10;
	s10 =	sshra.s32 @!p0 s24, $0x2;
	[sflag:s20] =	ssyncset.done $0x0  }
0xab: {  	s24 =	simm.s32 @!p0 $0x10000;
	s26 =	sadd.s32 @!p0 $0x8100, s10;
	[sflag:s20] =	ssyncadd.s32 $0xFFFFCE00  }
0xac: {  	[tilespmem:s24], [sflag:$0x1] =	stream.indirect.gather @!p0 [hbm4b:s4+s28], $0x40, s26, s28, $0xb8;
	[tilespmem:$0x16400] =	vst v63  }
0xad: {  	s10 =	sadd.s32 @!p0 $0xC138, s10;
	s24 =	simm.s32 @!p0 $0x48;
	s26 =	simm.s32 @!p0 $0x12000  }
0xae: {  	[tilespmem:s26], [sflag:$0x1] =	stream.indirect.gather @!p0 [hbm4b:s4+s24], $0x40, s10, s24, $0xb8;
	[tilespmem:$0x16400] =	vst v63  }
0xaf: {  	_ =	swait.ge [sflag:s21], $0x2000  }
0xb0: {  	s0 =	sadd.s32 s1, s31;
	[sflag:s21] =	ssyncset.done $0x0  }
0xb1: {  	s0 =	sshll.u32 s0, $0x7;
	[sflag:s21] =	ssyncadd.s32 $0xFFFFE000  }
0xb2: {  	s23 =	sadd.s32 $0x1, s23;
	s0 =	sor.u32 s25, s0;
	_ =	swait.ge [sflag:s21], $0x1200  }
0xb3: {  	s0 =	sshrl.u32 s0, $0x3;
	p0 =	sne.s32 s23, s8;
	[sflag:s21] =	ssyncset.done $0x0  }
.Ltmp2:
0xb4: {  	s0 =	sadd.s32 s5, s0;
	[sflag:s21] =	ssyncadd.s32 $0xFFFFEE00;
	(pc) =	sbr.rel @p0 .LBB2_1-.Ltmp2, $4  }
0xb5: {  	[hbm4b:s0+s19] =	stream.strided.scatter [tilespmem:s17], [sflag:$0x4], $0x3200, s11, s19, $0x38;
	[tilespmem:$0x16400] =	vst v63  }
0xb6: {  	_ =	swait.ge [sflag:s22], $0x3200  }
0xb7: {  	[sflag:s22] =	ssyncset.done $0x0  }
0xb8: {  	[sflag:s22] =	ssyncadd.s32 $0xFFFFCE00  }
0xb9: {  	_ =	sfence.sel $0x180000  }
0xba: {  	[bflag:$0x0] =	sbarrier.arrive $0xFFFF  }
0xbb: {  	_ =	strace $0x90000047  }
0xbc: {  	s0 =	stileid.u32;
	[bflag:$0x2] =	sbarrier.arrive $0xFFFF  }
0xbd: {  	p0 =	sne.s32 s0, $0x0;
	s0 =	rddreg [dreg:$0x2]  }
0xbe: {  	s0 =	sadd.s32 @!p0 $0x100000, s0  }
0xbf: {  	[sflag:s0] =	ssyncadd.tile.s32 @!p0 $0x1;
	_ =	shalt  }
.Lfunc_end2:
_tile_overlayer_lowered:
.L_overlay_start_2:
0xc0: {  	(tag) =	ssettag $0x2  }
0xc1: {  	s0 =	rddreg [dreg:$0x0];
	s2 =	stileid.u32  }
0xc2: {  	s1 =	rddreg [dreg:$0x1];
	p0 =	sne.s32 s2, $0x0  }
0xc3: {  	s3 =	rddreg [dreg:$0x2];
	[bflag:$0x3] =	sbarrier.arrive $0xFFFF;
	s2 =	simm.s32 @!p0 $0x1C05  }
0xc4: {  	[timem:s3], [sflag:s2] =	dma.local @!p0 [hbm:s0], s1  }
0xc5: {  	s0 =	simm.s32 @!p0 $0x5  }
0xc6: {  	_ =	swait.ge @!p0 [sflag:s0], s1  }
0xc7: {  	s1 =	ssub.s32 @!p0 $0x0, s1;
	[sflag:s0] =	ssyncset.done @!p0 $0x0  }
0xc8: {  	[sflag:s0] =	ssyncadd.s32 @!p0 s1  }
0xc9: {  	[bflag:$0x3] =	sbarrier.arrive $0xFFFF  }
0xca: {  	_ =	shalt  }

// kernel: sparse-core-data-format-call.1.cloned.1.call-start
scs
called_computation.1_lowered:
.L_overlay_start_0:
0x0: {  	s2 =	sld [smem:$0x3FD9]  }
0x1: {  	s3 =	sld [smem:$0x3FFE];
	_ =	sdelay $0x1  }
0x2: {  	s1 =	srdreg.scid  }
0x3: {  	s0 =	sand.u32 $0x1, s1  }
0x4: {  	s18 =	sshll.u32 s0, $0xA;
	s2 =	sadd.s32 s3, s2  }
0x5: {  	s2 =	sadd.s32 s2, s18  }
0x6: {  	[smem:$0x3FC6] =	sst s2  }
0x7: {  	_ = 	snop  }
0x8: {  	s19 =	sld [smem:$0x3FD0];
	(tm) =	ssettm $0x1  }
0x9: {  	s20 =	sld [smem:$0x3FFB];
	_ =	sdelay $0x3  }
0xa: {  	_ =	strace s20  }
0xb: {  	s2 =	sld [smem:$0x3FFC];
	_ =	sdelay $0x3  }
0xc: {  	_ =	strace s2  }
0xd: {  	s2 =	sld [smem:$0x3FFD];
	_ =	sdelay $0x3  }
0xe: {  	_ =	strace s2  }
0xf: {  	_ =	strace $0x8FFFFFFF  }
0x10: {  	s21 =	sld [smem:$0x3FDB];
	_ =	sdelay $0x1  }
0x11: {  	s4 =	simm.s32 $_scs_section_size  }
0x12: {  	s5 =	simm.s32 $_size__tile_overlayer_lowered;
	s6 =	simm.s32 $_tile_overlayer_lowered  }
0x13: {  	s7 =	simm.s32 $0x1BFF;
	s22 =	sshll.u32 s6, $0x1;
	s4 =	sadd.s32 s4, s21  }
0x14: {  	s23 =	simm.s32 $0x0;
	s5 =	sshll.u32 s5, $0x1;
	s6 =	sadd.s32 s22, s4  }
0x15: {  	[timem:s23], [sflag:s7] =	dma.local [hbm:s6], s5  }
0x16: {  	_ =	swait.ge [sflag:s7], s5  }
0x17: {  	s5 =	ssub.s32 $0x0, s5;
	[sflag:s7] =	ssyncset.done $0x0  }
0x18: {  	[sflag:s7] =	ssyncadd.s32 s5;
	_ =	sdelay $0x1  }
0x19: {  	s24 =	simm.s32 $0x1B8B  }
0x1a: {  	_ =	swait.ge [sflag:s24], $0x1  }
0x1b: {  	[sflag:s24] =	ssyncset.done $0x0  }
0x1c: {  	[sflag:s24] =	ssyncadd.s32 $0xFFFFFFFF  }
0x1d: {  	s5 =	sld [smem:$0x0]  }
0x1e: {  	s6 =	sand.u32 $0xFFFFFFFE, s1  }
0x1f: {  	p0 =	sne.s32 s1, s6  }
0x20: {  	s6 =	sshll.u32 @p0 s6, $0xE  }
0x21: {  	s6 =	sadd.s32 @p0 $0x11B8D, s6;
	s7 =	sshll.u32 @p0 s5, $0x11  }
0x22: {  	s6 =	sor.u32 @p0 s7, s6  }
0x23: {  	[sflag:s6] =	ssyncadd.remote.s32 @p0 $0x1;
	_ =	sdelay $0x1  }
0x24: {  	s6 =	simm.s32 @p0 $0x1B8D  }
0x25: {  	_ =	swait.eq @p0 [sflag:s6], $0x1  }
0x26: {  	[sflag:s6] =	ssyncadd.s32 @p0 $0xFFFFFFFF  }
0x27: {  	s7 =	sshll.u32 @!p0 s1, $0xE  }
0x28: {  	s7 =	sor.u32 @!p0 $0x4000, s7;
	s6 =	simm.s32 @!p0 $0x1B8D  }
0x29: {  	s5 =	sshll.u32 @!p0 s5, $0x11;
	s7 =	sadd.s32 @!p0 $0x11B8D, s7;
	_ =	swait.eq @!p0 [sflag:s6], $0x1  }
0x2a: {  	s5 =	sor.u32 @!p0 s5, s7;
	[sflag:s6] =	ssyncadd.s32 @!p0 $0xFFFFFFFF  }
0x2b: {  	s26 =	simm.s32 $0x1B8E;
	s25 =	sld [smem:$0x3FFE];
	[sflag:s5] =	ssyncadd.remote.s32 @!p0 $0x1  }
0x2c: {  	s27 =	simm.s32 $execute0_lowered;
	[smem:$0x3FD2] =	sst s26  }
0x2d: {  	s6 =	sshll.u32 s27, $0x1;
	_ =	strace $0x8000004C;
	[dreg:$0x1] =	wrdreg $0xFFFFFFFF  }
0x2e: {  	s28 =	simm.s32 $_size_execute0_lowered;
	s4 =	sadd.s32 s4, s6;
	[dreg:$0x0] =	wrdreg $0x0  }
0x2f: {  	s6 =	sshll.u32 s28, $0x1;
	[dreg:$0x2] =	wrdreg s4  }
0x30: {  	[dreg:$0x3] =	wrdreg s6  }
0x31: {  	[dreg:$0x4] =	wrdreg $0xC0  }
0x32: {  	_ =	task [dreg:s23], $0x5FFFF  }
0x33: {  	[dreg:$0x1] =	wrdreg $0xFFFFFFFF  }
0x34: {  	[dreg:$0x0] =	wrdreg $0x60  }
0x35: {  	[dreg:$0x2] =	wrdreg s19  }
0x36: {  	[dreg:$0x3] =	wrdreg s25  }
0x37: {  	[dreg:$0x4] =	wrdreg $0x9  }
0x38: {  	_ =	task.clear_ibuf [dreg:s23], $0x5FFFF;
	_ =	strace $0x9000004C  }
0x39: {  	s29 =	simm.s32 $0x9;
	_ =	strace $0x8000004E  }
0x3a: {  	_ =	swait.ge [sflag:s29], $0x1  }
0x3b: {  	[sflag:s29] =	ssyncadd.s32 $0xFFFFFFFF  }
0x3c: {  	_ =	strace $0x9000004E  }
0x3d: {  	_ =	sfence  }
0x3e: {  	s30 =	sld [smem:$0x0];
	_ =	sdelay $0x2  }
0x3f: {  	s31 =	sshll.u32 s1, $0xD;
	s1 =	sshrl.u32 s1, $0x2  }
0x40: {  	s4 =	sand.u32 $0x4000, s31;
	s1 =	sadd.s32 s1, s30  }
0x41: {  	s0 =	sor.u32 s4, s0;
	s1 =	sshll.u32 s1, $0x11  }
0x42: {  	s0 =	sor.u32 s1, s0  }
0x43: {  	s0 =	sadd.s32 $0x8F2B, s0  }
0x44: {  	[sflag:s0] =	ssyncadd.remote.s32 $0x1  }
0x45: {  	_ =	sfence.sel $0xFFFF  }
0x46: {  	[dreg:$0x0] =	wrdreg $0xFFFFFFFF;
	(pc) =	sbr.abs _section_cstart, $3  }
0x47: {  	[dreg:$0x1] =	wrdreg $0xFFFFFFFF  }
0x48: {  	_ =	task.clear_ibuf [dreg:s23], $0x2FFFF;
	_ =	strace $0x9FFFFFFF  }
0x49: {  	(tm) =	ssettm $0x7FFFFFFF  }
tec
execute0_lowered:
.L_overlay_start_1:
0x0: {  	(tag) =	ssettag $0x1  }
0x1: {  	s2 =	rddreg [dreg:$0x0]  }
0x2: {  	s1 =	rddreg [dreg:$0x1]  }
0x3: {  	s0 =	rddreg [dreg:$0x2]  }
0x4: {  	s4 =	srdreg.scid;
	_ =	strace $0x8000004D;
	s6 =	simm.s32 $0x2  }
0x5: {  	s11 =	simm.s32 $0x0;
	p0 =	por $0x0, $0x0;
	s12 =	simm.s32 $0x0  }
.Ltmp0:
0x6: {  	s13 =	simm.s32 $0x0;
	s8 =	simm.s32 $0x0;
	(pc) =	sbr.rel .LBB1_1-.Ltmp0, $4  }
0x7: {  	s9 =	simm.s32 $0x0;
	s3 =	sadd.s32 $0xC91400, s1;
	s4 =	sshll.u32 s4, $0x4  }
0x8: {  	s1 =	stileid.u32;
	s5 =	sand.u32 $0x10, s4;
	s4 =	simm.s32 $0x1  }
0x9: {  	s7 =	simm.s32 $0x0;
	s5 =	sor.u32 s1, s5;
	[sflag:s4] =	ssyncpa.u1 $0x0  }
0xa: {  	[sflag:s6] =	ssyncpa.u1 $0x0;
	s6 =	simm.s32 $0x800;
	s10 =	smov.u32 s5  }
.LBB1_5:
0xb: {  	s14 =	sadd.s32 $0x80, s8  }
0xc: {  	s11 =	simm.s32 $0x1;
	p2 =	sgt.s32 s14, $0xC7  }
0xd: {  	s11 =	simm.s32 @!p2 $0x0  }
0xe: {  	s15 =	sadd.s32 s11, s9  }
0xf: {  	s17 =	smov.u32 s10;
	s11 =	sadd.s32 $0x20, s10;
	p3 =	sgt.s32 s15, $0x7  }
0x10: {  	p1 =	slt.u32 s7, $0x2;
	s17 =	smov.u32 @p3 s11  }
0x11: {  	s7 =	sadd.s32 $0x1, s7;
	s14 =	simm.s32 @p2 $0x0;
	p2 =	sgt.s32 s17, $0xFF  }
0x12: {  	s17 =	smov.u32 @p2 s5;
	p2 =	sne.s32 s7, $0x82  }
.Ltmp1:
0x13: {  	s16 =	simm.s32 @!p1 $0x2;
	(pc) =	sbr.rel @!p2 .LBB1_6-.Ltmp1, $4  }
0x14: {  	s12 =	smov.u32 s9;
	_ =	swait.ge @!p1 [sflag:s16], $0x2000  }
0x15: {  	s13 =	smov.u32 s10;
	p0 =	por !p0, !p0;
	[sflag:s16] =	ssyncset.done @!p1 $0x0  }
0x16: {  	[sflag:s16] =	ssyncadd.s32 @!p1 $0xFFFFE000;
	s15 =	simm.s32 @p3 $0x0;
	s11 =	smov.u32 s8  }
0x17: {  	s8 =	smov.u32 s14;
	s9 =	smov.u32 s15;
	s10 =	smov.u32 s17  }
.LBB1_1:
0x18: {  	p1 =	sgt.u32 s7, $0x7F  }
0x19: {  	s15 =	smov.u32 s10;
	s18 =	smov.u32 s9;
	p2 =	sgt.s32 @!p1 s10, $0xFF  }
0x1a: {  	s14 =	sand.u32 @!p1 $0x1FFFFFF, s8;
	s17 =	sshra.s32 @!p1 s10, $0x1F;
	p2 =	por !p2, p1  }
0x1b: {  	s19 =	sshra.s32 @!p1 s9, $0x1F;
	s15 =	simm.s32 @p2 $0xFF;
	p2 =	sgt.s32 @!p1 s9, $0x7  }
0x1c: {  	s16 =	smulhi.u32 @!p1 $0x147AE15, s14;
	s17 =	sand.u32 @!p1 s17, s10;
	p2 =	por !p2, p1  }
0x1d: {  	s19 =	sand.u32 @!p1 s19, s9;
	s15 =	ssub.s32 @!p1 s15, s17;
	s18 =	simm.s32 @p2 $0x7  }
0x1e: {  	p2 =	sgt.s32 @!p1 s8, $0x48;
	s15 =	sadd.s32 @!p1 $0xFFFFFF01, s15;
	s17 =	ssub.s32 @!p1 s18, s19  }
0x1f: {  	p2 =	por !p2, p1;
	s19 =	smov.u32 s8;
	s18 =	sadd.s32 @!p1 $0xFFFFFFF9, s17  }
0x20: {  	s19 =	simm.s32 @p2 $0x48;
	p3 =	sgt.s32 @!p1 s18, $0x0;
	s18 =	sshra.s32 @!p1 s8, $0x1F  }
0x21: {  	p2 =	sgt.s32 @!p1 s15, $0x0;
	s15 =	sshll.u32 @!p1 s15, $0x6;
	s18 =	sand.u32 @!p1 s18, s8  }
0x22: {  	s17 =	ssub.s32 @!p1 $0x8, s17;
	s15 =	ssub.s32 @!p1 $0x40, s15;
	s18 =	ssub.s32 @!p1 s19, s18  }
0x23: {  	p2 =	por !p2, p1;
	p3 =	por !p3, p1;
	s19 =	sadd.s32 @!p1 $0xFFFFFFB8, s18  }
0x24: {  	s15 =	simm.s32 @!p2 $0x0;
	s17 =	simm.s32 @!p3 $0x0;
	p3 =	sgt.s32 @!p1 s19, $0x7F  }
0x25: {  	s18 =	ssub.s32 @!p1 $0xC8, s18;
	s15 =	smul.u32 @!p1 s17, s15;
	p2 =	por !p3, p1  }
0x26: {  	s16 =	smul.u32 @!p1 $0xC8, s16;
	s18 =	simm.s32 @!p2 $0x0  }
0x27: {  	s15 =	smul.u32 @!p1 s18, s15  }
0x28: {  	s18 =	smul.u32 @!p1 $0x6400, s10  }
0x29: {  	s14 =	ssub.s32 @!p1 s14, s16;
	s17 =	sxor.u32 @!p1 $0xFFFFFFFF, s7;
	s19 =	smul.u32 @!p1 $0xC80, s9  }
0x2a: {  	s14 =	sshll.u32 @!p1 s14, $0x4;
	s17 =	sshll.u32 @!p1 s17, $0xD;
	s16 =	sadd.s32 @!p1 s2, s18  }
0x2b: {  	s17 =	sand.u32 @!p1 $0x2000, s17;
	s15 =	sand.u32 @!p1 $0x3FFFFFC0, s15;
	s16 =	sadd.s32 @!p1 s19, s16  }
0x2c: {  	s18 =	simm.s32 @!p1 $0x80;
	s14 =	sadd.s32 @!p1 s14, s16;
	s16 =	simm.s32 @!p1 $0x40  }
0x2d: {  	[tilespmem:s17], [sflag:$0x1] =	stream.strided.gather @!p1 [hbm4b:s14+s16], s15, s18, s16, $0x38;
	[tilespmem:$0x8080] =	vst v63  }
0x2e: {  	p1 =	seq.s32 s7, $0x0  }
0x2f: {  	p2 =	seq.s32 @!p1 s7, $0x81  }
0x30: {  	p1 =	por p1, p2  }
.Ltmp2:
0x31: {  	_ = 	snop;
	(pc) =	sbr.rel @p1 .LBB1_5-.Ltmp2, $1  }
0x32: {  	_ =	sdelay $0x3  }
0x33: {  	p1 =	sgt.s32 s13, $0xFF  }
0x34: {  	s14 =	smov.u32 s13;
	s15 =	sshra.s32 s13, $0x1F;
	s16 =	sshra.s32 s12, $0x1F  }
0x35: {  	p2 =	sgt.s32 s11, $0x48;
	s14 =	simm.s32 @!p1 $0xFF;
	s15 =	sand.u32 s15, s13  }
0x36: {  	s18 =	sshra.s32 s11, $0x1F;
	p1 =	sgt.s32 s12, $0x7;
	s14 =	ssub.s32 s14, s15  }
0x37: {  	s16 =	sand.u32 s16, s12;
	s15 =	smov.u32 s12;
	s14 =	sadd.s32 $0xFFFFFF01, s14  }
0x38: {  	s26 =	sand.u32 s18, s11;
	s15 =	simm.s32 @!p1 $0x7;
	p1 =	sgt.s32 s14, $0x0  }
0x39: {  	s15 =	ssub.s32 s15, s16;
	s16 =	smov.u32 s11;
	s14 =	sshll.u32 s14, $0x6  }
0x3a: {  	s17 =	sadd.s32 $0xFFFFFFF9, s15;
	s16 =	simm.s32 @!p2 $0x48;
	s15 =	ssub.s32 $0x8, s15  }
0x3b: {  	s14 =	ssub.s32 $0x40, s14;
	p2 =	sgt.s32 s17, $0x0;
	s16 =	ssub.s32 s16, s26  }
0x3c: {  	s14 =	simm.s32 @p1 $0x0;
	s15 =	simm.s32 @p2 $0x0;
	s17 =	sadd.s32 $0xFFFFFFB8, s16  }
0x3d: {  	s16 =	ssub.s32 $0xC8, s16;
	p1 =	sgt.s32 s17, $0x7F;
	s14 =	smul.u32 s15, s14  }
0x3e: {  	s16 =	simm.s32 @p1 $0x0  }
0x3f: {  	s14 =	smul.u32 s16, s14;
	_ =	sdelay $0x1  }
0x40: {  	s15 =	simm.s32 $0x1;
	s14 =	sand.u32 $0x3FFFFFC0, s14  }
0x41: {  	s15 =	simm.s32 @!p0 $0x0;
	_ =	swait.ge [sflag:s4], s14  }
0x42: {  	s27 =	sshll.u32 s15, $0xD;
	s14 =	ssub.s32 $0x0, s14;
	[sflag:s4] =	ssyncset.done $0x0  }
0x43: {  	s28 =	sor.u32 $0x20, s27;
	[sflag:s4] =	ssyncadd.s32 s14  }
0x44: {  	s29 =	smul.u32 $0x8100, s15;
	v3 =	vld [tilespmem:s28+$0x10]  }
0x45: {  	s30 =	sand.u32 $0x1, s7;
	v2 =	vld [tilespmem:s28+$0xFFFFFFF0]  }
0x46: {  	s15 =	smul.u32 $0x8100, s30;
	s14 =	sshrl.u32 s29, $0x2;
	v0 =	vld [tilespmem:s28+$0x0]  }
0x47: {  	s16 =	sor.u32 $0x4000, s14;
	v1 =	vld [tilespmem:s28+$0xFFFFFFE0]  }
0x48: {  	s31 =	sshrl.u32 s15, $0x2;
	s15 =	sadd.s32 $0x0, s16  }
0x49: {  	s17 =	simm.s32 $0x4;
	s18 =	sadd.s32 $0x40, s28;
	s14 =	sor.u32 $0x4000, s31;
	[tilespmem:s15+$0x1830 ss:$0x81] =	vst.msk $0xffff, v3  }
.LBB1_3:
0x4a: {  	v3 =	vld [tilespmem:s18+$0x10];
	p1 =	sne.s32 s17, $0x1FC;
	[tilespmem:s15+$0x810 ss:$0x81] =	vst.msk $0xffff, v2;
	s19 =	smov.u32 s17;
	s17 =	sadd.s32 $0x4, s17  }
.Ltmp3:
0x4b: {  	v2 =	vld [tilespmem:s18+$0xFFFFFFF0];
	[tilespmem:s15+$0x1020 ss:$0x81] =	vst.msk $0xffff, v0;
	(pc) =	sbr.rel @p1 .LBB1_3-.Ltmp3, $4  }
0x4c: {  	v0 =	vld [tilespmem:s18+$0x0];
	[tilespmem:s15+$0x0 ss:$0x81] =	vst.msk $0xffff, v1  }
0x4d: {  	s15 =	sshra.s32 s19, $0x2;
	v1 =	vld [tilespmem:s18+$0xFFFFFFE0]  }
0x4e: {  	s15 =	sadd.s32 s15, s16  }
0x4f: {  	s18 =	sadd.s32 $0x40, s18;
	[tilespmem:s15+$0x1830 ss:$0x81] =	vst.msk $0xffff, v3  }
0x50: {  	s13 =	sshll.u32 s13, $0xE;
	s16 =	sand.u32 $0x780, s11  }
.Ltmp4:
0x51: {  	s12 =	sshll.u32 s12, $0xB;
	s13 =	sadd.s32 s3, s13;
	(pc) =	sbr.rel .LBB1_5-.Ltmp4, $4  }
0x52: {  	[tilespmem:s15+$0x810 ss:$0x81] =	vst.msk $0xffff, v2;
	s17 =	sshrl.u32 s11, $0x3;
	s30 =	sand.u32 $0x7, s11;
	s12 =	sadd.s32 s12, s13  }
0x53: {  	[tilespmem:s15+$0x1020 ss:$0x81] =	vst.msk $0xffff, v0;
	s31 =	sand.u32 $0xF, s17;
	s11 =	sshll.u32 s30, $0x12;
	s12 =	sadd.s32 s16, s12  }
0x54: {  	[tilespmem:s15+$0x0 ss:$0x81] =	vst.msk $0xffff, v1;
	s11 =	sor.u32 $0x400, s11;
	s12 =	sadd.s32 s31, s12  }
0x55: {  	[hbm4b:s12+s11] =	stream.strided.scatter [tilespmem:s14], [sflag:$0x2], $0x2000, s6, s11, $0x20;
	[tilespmem:$0x8080] =	vst v63  }
.LBB1_6:
0x56: {  	_ =	sfence.sel $0x180000  }
0x57: {  	s2 =	simm.s32 $0x1;
	[bflag:$0x0] =	sbarrier.arrive $0xFFFF  }
0x58: {  	s31 =	simm.s32 $0x2;
	[sflag:s2] =	ssyncpa.u1 $0x1  }
0x59: {  	[sflag:s31] =	ssyncpa.u1 $0x1  }
0x5a: {  	p0 =	sne.s32 s1, $0x0;
	_ =	strace $0x9000004D  }
0x5b: {  	s0 =	sadd.s32 @!p0 $0x100000, s0;
	[bflag:$0x2] =	sbarrier.arrive $0xFFFF  }
0x5c: {  	[sflag:s0] =	ssyncadd.tile.s32 @!p0 $0x1;
	_ =	shalt  }
.Lfunc_end1:
_tile_overlayer_lowered:
.L_overlay_start_2:
0x5d: {  	(tag) =	ssettag $0x2  }
0x5e: {  	s0 =	rddreg [dreg:$0x0];
	s2 =	stileid.u32  }
0x5f: {  	s1 =	rddreg [dreg:$0x1];
	p0 =	sne.s32 s2, $0x0  }
0x60: {  	s3 =	rddreg [dreg:$0x2];
	[bflag:$0x3] =	sbarrier.arrive $0xFFFF;
	s2 =	simm.s32 @!p0 $0x1C01  }
0x61: {  	[timem:s3], [sflag:s2] =	dma.local @!p0 [hbm:s0], s1  }
0x62: {  	s0 =	simm.s32 @!p0 $0x1  }
0x63: {  	_ =	swait.ge @!p0 [sflag:s0], s1  }
0x64: {  	s1 =	ssub.s32 @!p0 $0x0, s1;
	[sflag:s0] =	ssyncset.done @!p0 $0x0  }
0x65: {  	[sflag:s0] =	ssyncadd.s32 @!p0 s1  }
0x66: {  	[bflag:$0x3] =	sbarrier.arrive $0xFFFF  }
0x67: {  	_ =	shalt  }

// kernel: sparse-core-data-format-call.2.cloned.1.call-start
scs
called_computation.2_lowered:
.L_overlay_start_0:
0x0: {  	s1 =	sld [smem:$0x3FD9]  }
0x1: {  	s2 =	sld [smem:$0x3FFE];
	_ =	sdelay $0x1  }
0x2: {  	s3 =	srdreg.scid  }
0x3: {  	s0 =	sand.u32 $0x1, s3  }
0x4: {  	s17 =	sshll.u32 s0, $0xA;
	s1 =	sadd.s32 s2, s1  }
0x5: {  	s1 =	sadd.s32 s1, s17  }
0x6: {  	[smem:$0x3FC6] =	sst s1  }
0x7: {  	_ = 	snop  }
0x8: {  	(tm) =	ssettm $0x1  }
0x9: {  	s18 =	sld [smem:$0x3FFB];
	_ =	sdelay $0x3  }
0xa: {  	_ =	strace s18  }
0xb: {  	s1 =	sld [smem:$0x3FFC];
	_ =	sdelay $0x3  }
0xc: {  	_ =	strace s1  }
0xd: {  	s1 =	sld [smem:$0x3FFD];
	_ =	sdelay $0x3  }
0xe: {  	_ =	strace s1  }
0xf: {  	_ =	strace $0x8FFFFFFF  }
0x10: {  	s19 =	sld [smem:$0x3FDB];
	_ =	sdelay $0x1  }
0x11: {  	s20 =	simm.s32 $_scs_section_size  }
0x12: {  	s4 =	simm.s32 $_size__tile_overlayer_lowered;
	s5 =	simm.s32 $_tile_overlayer_lowered  }
0x13: {  	s23 =	simm.s32 $0x1BFF;
	s22 =	sshll.u32 s5, $0x1;
	s1 =	sadd.s32 s20, s19  }
0x14: {  	s6 =	simm.s32 $0x0;
	s21 =	sshll.u32 s4, $0x1;
	s4 =	sadd.s32 s22, s1  }
0x15: {  	[timem:s6], [sflag:s23] =	dma.local [hbm:s4], s21  }
0x16: {  	_ =	swait.ge [sflag:s23], s21  }
0x17: {  	s2 =	ssub.s32 $0x0, s21;
	[sflag:s23] =	ssyncset.done $0x0  }
0x18: {  	[sflag:s23] =	ssyncadd.s32 s2;
	_ =	sdelay $0x1  }
0x19: {  	s24 =	simm.s32 $0x1B8B  }
0x1a: {  	_ =	swait.ge [sflag:s24], $0x1  }
0x1b: {  	[sflag:s24] =	ssyncset.done $0x0  }
0x1c: {  	s26 =	simm.s32 $0x1B8E;
	s25 =	sld [smem:$0x3FFE];
	[sflag:s24] =	ssyncadd.s32 $0xFFFFFFFF  }
0x1d: {  	s27 =	simm.s32 $execute0_lowered;
	[smem:$0x3FD2] =	sst s26  }
0x1e: {  	s4 =	sshll.u32 s27, $0x1;
	_ =	strace $0x80000049;
	[dreg:$0x1] =	wrdreg $0xFFFFFFFF  }
0x1f: {  	s28 =	simm.s32 $_size_execute0_lowered;
	s1 =	sadd.s32 s1, s4;
	[dreg:$0x0] =	wrdreg $0x0  }
0x20: {  	s4 =	sshll.u32 s28, $0x1;
	[dreg:$0x2] =	wrdreg s1  }
0x21: {  	[dreg:$0x3] =	wrdreg s4  }
0x22: {  	[dreg:$0x4] =	wrdreg $0xC0  }
0x23: {  	_ =	task [dreg:s6], $0x5FFFF  }
0x24: {  	[dreg:$0x1] =	wrdreg $0xFFFFFFFF  }
0x25: {  	[dreg:$0x0] =	wrdreg $0x60  }
0x26: {  	[dreg:$0x2] =	wrdreg s25  }
0x27: {  	[dreg:$0x3] =	wrdreg $0xA  }
0x28: {  	_ =	task.clear_ibuf [dreg:s6], $0x4FFFF;
	_ =	strace $0x90000049  }
0x29: {  	s29 =	simm.s32 $0xA;
	_ =	strace $0x8000004B  }
0x2a: {  	_ =	swait.ge [sflag:s29], $0x1  }
0x2b: {  	[sflag:s29] =	ssyncadd.s32 $0xFFFFFFFF  }
0x2c: {  	_ =	strace $0x9000004B  }
0x2d: {  	_ =	sfence  }
0x2e: {  	s30 =	sld [smem:$0x0];
	_ =	sdelay $0x2  }
0x2f: {  	s31 =	sshll.u32 s3, $0xD;
	s3 =	sshrl.u32 s3, $0x2  }
0x30: {  	s2 =	sand.u32 $0x4000, s31;
	s1 =	sadd.s32 s3, s30  }
0x31: {  	s0 =	sor.u32 s2, s0;
	s1 =	sshll.u32 s1, $0x11  }
0x32: {  	s0 =	sor.u32 s1, s0  }
0x33: {  	s0 =	sadd.s32 $0x8F2B, s0  }
0x34: {  	[sflag:s0] =	ssyncadd.remote.s32 $0x1  }
0x35: {  	_ =	sfence.sel $0xFFFF  }
0x36: {  	[dreg:$0x0] =	wrdreg $0xFFFFFFFF;
	(pc) =	sbr.abs _section_cstart, $3  }
0x37: {  	[dreg:$0x1] =	wrdreg $0xFFFFFFFF  }
0x38: {  	_ =	task.clear_ibuf [dreg:s6], $0x2FFFF;
	_ =	strace $0x9FFFFFFF  }
0x39: {  	(tm) =	ssettm $0x7FFFFFFF  }
tec
execute0_lowered:
.L_overlay_start_1:
0x0: {  	(tag) =	ssettag $0x1  }
0x1: {  	s1 =	rddreg [dreg:$0x0]  }
0x2: {  	s0 =	rddreg [dreg:$0x1];
	_ =	strace $0x8000004A  }
0x3: {  	s4 =	srdreg.scid;
	s6 =	simm.s32 $0x2;
	s11 =	simm.s32 $0x0  }
0x4: {  	p0 =	por $0x0, $0x0;
	s12 =	simm.s32 $0x0;
	s13 =	simm.s32 $0x0  }
.Ltmp0:
0x5: {  	s8 =	simm.s32 $0x0;
	s9 =	simm.s32 $0x0;
	(pc) =	sbr.rel .LBB1_1-.Ltmp0, $4  }
0x6: {  	s2 =	sadd.s32 $0x651400, s1;
	s3 =	sadd.s32 $0x1400, s1;
	s4 =	sshll.u32 s4, $0x4  }
0x7: {  	s1 =	stileid.u32;
	s5 =	sand.u32 $0x10, s4;
	s4 =	simm.s32 $0x1  }
0x8: {  	s7 =	simm.s32 $0x0;
	s5 =	sor.u32 s1, s5;
	[sflag:s4] =	ssyncpa.u1 $0x0  }
0x9: {  	[sflag:s6] =	ssyncpa.u1 $0x0;
	s6 =	simm.s32 $0x800;
	s10 =	smov.u32 s5  }
.LBB1_5:
0xa: {  	s14 =	sadd.s32 $0x80, s8  }
0xb: {  	s11 =	simm.s32 $0x1;
	p2 =	sgt.s32 s14, $0xC7  }
0xc: {  	s11 =	simm.s32 @!p2 $0x0  }
0xd: {  	s15 =	sadd.s32 s11, s9  }
0xe: {  	s17 =	smov.u32 s10;
	s11 =	sadd.s32 $0x20, s10;
	p3 =	sgt.s32 s15, $0x7  }
0xf: {  	p1 =	slt.u32 s7, $0x2;
	s17 =	smov.u32 @p3 s11  }
0x10: {  	s7 =	sadd.s32 $0x1, s7;
	s14 =	simm.s32 @p2 $0x0;
	p2 =	sgt.s32 s17, $0xFF  }
0x11: {  	s17 =	smov.u32 @p2 s5;
	p2 =	sne.s32 s7, $0x82  }
.Ltmp1:
0x12: {  	s16 =	simm.s32 @!p1 $0x2;
	(pc) =	sbr.rel @!p2 .LBB1_6-.Ltmp1, $4  }
0x13: {  	s12 =	smov.u32 s9;
	_ =	swait.ge @!p1 [sflag:s16], $0x2000  }
0x14: {  	s13 =	smov.u32 s10;
	p0 =	por !p0, !p0;
	[sflag:s16] =	ssyncset.done @!p1 $0x0  }
0x15: {  	[sflag:s16] =	ssyncadd.s32 @!p1 $0xFFFFE000;
	s15 =	simm.s32 @p3 $0x0;
	s11 =	smov.u32 s8  }
0x16: {  	s8 =	smov.u32 s14;
	s9 =	smov.u32 s15;
	s10 =	smov.u32 s17  }
.LBB1_1:
0x17: {  	p1 =	sgt.u32 s7, $0x7F  }
0x18: {  	s15 =	smov.u32 s10;
	s18 =	smov.u32 s9;
	p2 =	sgt.s32 @!p1 s10, $0xFF  }
0x19: {  	s14 =	sand.u32 @!p1 $0x1FFFFFF, s8;
	s17 =	sshra.s32 @!p1 s10, $0x1F;
	p2 =	por !p2, p1  }
0x1a: {  	s19 =	sshra.s32 @!p1 s9, $0x1F;
	s15 =	simm.s32 @p2 $0xFF;
	p2 =	sgt.s32 @!p1 s9, $0x7  }
0x1b: {  	s16 =	smulhi.u32 @!p1 $0x147AE15, s14;
	s17 =	sand.u32 @!p1 s17, s10;
	p2 =	por !p2, p1  }
0x1c: {  	s19 =	sand.u32 @!p1 s19, s9;
	s15 =	ssub.s32 @!p1 s15, s17;
	s18 =	simm.s32 @p2 $0x7  }
0x1d: {  	p2 =	sgt.s32 @!p1 s8, $0x48;
	s15 =	sadd.s32 @!p1 $0xFFFFFF01, s15;
	s17 =	ssub.s32 @!p1 s18, s19  }
0x1e: {  	p2 =	por !p2, p1;
	s19 =	smov.u32 s8;
	s18 =	sadd.s32 @!p1 $0xFFFFFFF9, s17  }
0x1f: {  	s19 =	simm.s32 @p2 $0x48;
	p3 =	sgt.s32 @!p1 s18, $0x0;
	s18 =	sshra.s32 @!p1 s8, $0x1F  }
0x20: {  	p2 =	sgt.s32 @!p1 s15, $0x0;
	s15 =	sshll.u32 @!p1 s15, $0x6;
	s18 =	sand.u32 @!p1 s18, s8  }
0x21: {  	s17 =	ssub.s32 @!p1 $0x8, s17;
	s15 =	ssub.s32 @!p1 $0x40, s15;
	s18 =	ssub.s32 @!p1 s19, s18  }
0x22: {  	p2 =	por !p2, p1;
	p3 =	por !p3, p1;
	s19 =	sadd.s32 @!p1 $0xFFFFFFB8, s18  }
0x23: {  	s15 =	simm.s32 @!p2 $0x0;
	s17 =	simm.s32 @!p3 $0x0;
	p3 =	sgt.s32 @!p1 s19, $0x7F  }
0x24: {  	s18 =	ssub.s32 @!p1 $0xC8, s18;
	s15 =	smul.u32 @!p1 s17, s15;
	p2 =	por !p3, p1  }
0x25: {  	s16 =	smul.u32 @!p1 $0xC8, s16;
	s18 =	simm.s32 @!p2 $0x0  }
0x26: {  	s15 =	smul.u32 @!p1 s18, s15  }
0x27: {  	s18 =	smul.u32 @!p1 $0x6400, s10  }
0x28: {  	s14 =	ssub.s32 @!p1 s14, s16;
	s17 =	sxor.u32 @!p1 $0xFFFFFFFF, s7;
	s19 =	smul.u32 @!p1 $0xC80, s9  }
0x29: {  	s14 =	sshll.u32 @!p1 s14, $0x4;
	s17 =	sshll.u32 @!p1 s17, $0xD;
	s16 =	sadd.s32 @!p1 s2, s18  }
0x2a: {  	s17 =	sand.u32 @!p1 $0x2000, s17;
	s15 =	sand.u32 @!p1 $0x3FFFFFC0, s15;
	s16 =	sadd.s32 @!p1 s19, s16  }
0x2b: {  	s18 =	simm.s32 @!p1 $0x80;
	s14 =	sadd.s32 @!p1 s14, s16;
	s16 =	simm.s32 @!p1 $0x40  }
0x2c: {  	[tilespmem:s17], [sflag:$0x1] =	stream.strided.gather @!p1 [hbm4b:s14+s16], s15, s18, s16, $0x38;
	[tilespmem:$0x8080] =	vst v63  }
0x2d: {  	p1 =	seq.s32 s7, $0x0  }
0x2e: {  	p2 =	seq.s32 @!p1 s7, $0x81  }
0x2f: {  	p1 =	por p1, p2  }
.Ltmp2:
0x30: {  	_ = 	snop;
	(pc) =	sbr.rel @p1 .LBB1_5-.Ltmp2, $1  }
0x31: {  	_ =	sdelay $0x3  }
0x32: {  	p1 =	sgt.s32 s13, $0xFF  }
0x33: {  	s14 =	smov.u32 s13;
	s15 =	sshra.s32 s13, $0x1F;
	s16 =	sshra.s32 s12, $0x1F  }
0x34: {  	p2 =	sgt.s32 s11, $0x48;
	s14 =	simm.s32 @!p1 $0xFF;
	s15 =	sand.u32 s15, s13  }
0x35: {  	s18 =	sshra.s32 s11, $0x1F;
	p1 =	sgt.s32 s12, $0x7;
	s14 =	ssub.s32 s14, s15  }
0x36: {  	s16 =	sand.u32 s16, s12;
	s15 =	smov.u32 s12;
	s14 =	sadd.s32 $0xFFFFFF01, s14  }
0x37: {  	s26 =	sand.u32 s18, s11;
	s15 =	simm.s32 @!p1 $0x7;
	p1 =	sgt.s32 s14, $0x0  }
0x38: {  	s15 =	ssub.s32 s15, s16;
	s16 =	smov.u32 s11;
	s14 =	sshll.u32 s14, $0x6  }
0x39: {  	s17 =	sadd.s32 $0xFFFFFFF9, s15;
	s16 =	simm.s32 @!p2 $0x48;
	s15 =	ssub.s32 $0x8, s15  }
0x3a: {  	s14 =	ssub.s32 $0x40, s14;
	p2 =	sgt.s32 s17, $0x0;
	s16 =	ssub.s32 s16, s26  }
0x3b: {  	s14 =	simm.s32 @p1 $0x0;
	s15 =	simm.s32 @p2 $0x0;
	s17 =	sadd.s32 $0xFFFFFFB8, s16  }
0x3c: {  	s16 =	ssub.s32 $0xC8, s16;
	p1 =	sgt.s32 s17, $0x7F;
	s14 =	smul.u32 s15, s14  }
0x3d: {  	s16 =	simm.s32 @p1 $0x0  }
0x3e: {  	s14 =	smul.u32 s16, s14;
	_ =	sdelay $0x1  }
0x3f: {  	s15 =	simm.s32 $0x1;
	s14 =	sand.u32 $0x3FFFFFC0, s14  }
0x40: {  	s15 =	simm.s32 @!p0 $0x0;
	_ =	swait.ge [sflag:s4], s14  }
0x41: {  	s27 =	sshll.u32 s15, $0xD;
	s14 =	ssub.s32 $0x0, s14;
	[sflag:s4] =	ssyncset.done $0x0  }
0x42: {  	s28 =	sor.u32 $0x20, s27;
	[sflag:s4] =	ssyncadd.s32 s14  }
0x43: {  	s29 =	smul.u32 $0x8100, s15;
	v3 =	vld [tilespmem:s28+$0x10]  }
0x44: {  	s30 =	sand.u32 $0x1, s7;
	v2 =	vld [tilespmem:s28+$0xFFFFFFF0]  }
0x45: {  	s15 =	smul.u32 $0x8100, s30;
	s14 =	sshrl.u32 s29, $0x2;
	v0 =	vld [tilespmem:s28+$0x0]  }
0x46: {  	s16 =	sor.u32 $0x4000, s14;
	v1 =	vld [tilespmem:s28+$0xFFFFFFE0]  }
0x47: {  	s31 =	sshrl.u32 s15, $0x2;
	s15 =	sadd.s32 $0x0, s16  }
0x48: {  	s17 =	simm.s32 $0x4;
	s18 =	sadd.s32 $0x40, s28;
	s14 =	sor.u32 $0x4000, s31;
	[tilespmem:s15+$0x1830 ss:$0x81] =	vst.msk $0xffff, v3  }
.LBB1_3:
0x49: {  	v3 =	vld [tilespmem:s18+$0x10];
	p1 =	sne.s32 s17, $0x1FC;
	[tilespmem:s15+$0x810 ss:$0x81] =	vst.msk $0xffff, v2;
	s19 =	smov.u32 s17;
	s17 =	sadd.s32 $0x4, s17  }
.Ltmp3:
0x4a: {  	v2 =	vld [tilespmem:s18+$0xFFFFFFF0];
	[tilespmem:s15+$0x1020 ss:$0x81] =	vst.msk $0xffff, v0;
	(pc) =	sbr.rel @p1 .LBB1_3-.Ltmp3, $4  }
0x4b: {  	v0 =	vld [tilespmem:s18+$0x0];
	[tilespmem:s15+$0x0 ss:$0x81] =	vst.msk $0xffff, v1  }
0x4c: {  	s15 =	sshra.s32 s19, $0x2;
	v1 =	vld [tilespmem:s18+$0xFFFFFFE0]  }
0x4d: {  	s15 =	sadd.s32 s15, s16  }
0x4e: {  	s18 =	sadd.s32 $0x40, s18;
	[tilespmem:s15+$0x1830 ss:$0x81] =	vst.msk $0xffff, v3  }
0x4f: {  	s13 =	sshll.u32 s13, $0xE;
	s16 =	sand.u32 $0x780, s11  }
.Ltmp4:
0x50: {  	s12 =	sshll.u32 s12, $0xB;
	s13 =	sadd.s32 s3, s13;
	(pc) =	sbr.rel .LBB1_5-.Ltmp4, $4  }
0x51: {  	[tilespmem:s15+$0x810 ss:$0x81] =	vst.msk $0xffff, v2;
	s17 =	sshrl.u32 s11, $0x3;
	s30 =	sand.u32 $0x7, s11;
	s12 =	sadd.s32 s12, s13  }
0x52: {  	[tilespmem:s15+$0x1020 ss:$0x81] =	vst.msk $0xffff, v0;
	s31 =	sand.u32 $0xF, s17;
	s11 =	sshll.u32 s30, $0x12;
	s12 =	sadd.s32 s16, s12  }
0x53: {  	[tilespmem:s15+$0x0 ss:$0x81] =	vst.msk $0xffff, v1;
	s11 =	sor.u32 $0x400, s11;
	s12 =	sadd.s32 s31, s12  }
0x54: {  	[hbm4b:s12+s11] =	stream.strided.scatter [tilespmem:s14], [sflag:$0x2], $0x2000, s6, s11, $0x20;
	[tilespmem:$0x8080] =	vst v63  }
.LBB1_6:
0x55: {  	_ =	sfence.sel $0x180000  }
0x56: {  	s2 =	simm.s32 $0x1;
	[bflag:$0x0] =	sbarrier.arrive $0xFFFF  }
0x57: {  	s31 =	simm.s32 $0x2;
	[sflag:s2] =	ssyncpa.u1 $0x1  }
0x58: {  	[sflag:s31] =	ssyncpa.u1 $0x1  }
0x59: {  	p0 =	sne.s32 s1, $0x0;
	_ =	strace $0x9000004A  }
0x5a: {  	s0 =	sadd.s32 @!p0 $0x100000, s0;
	[bflag:$0x2] =	sbarrier.arrive $0xFFFF  }
0x5b: {  	[sflag:s0] =	ssyncadd.tile.s32 @!p0 $0x1;
	_ =	shalt  }
.Lfunc_end1:
_tile_overlayer_lowered:
.L_overlay_start_2:
0x5c: {  	(tag) =	ssettag $0x2  }
0x5d: {  	s0 =	rddreg [dreg:$0x0];
	s2 =	stileid.u32  }
0x5e: {  	s1 =	rddreg [dreg:$0x1];
	p0 =	sne.s32 s2, $0x0  }
0x5f: {  	s3 =	rddreg [dreg:$0x2];
	[bflag:$0x3] =	sbarrier.arrive $0xFFFF;
	s2 =	simm.s32 @!p0 $0x1C01  }
0x60: {  	[timem:s3], [sflag:s2] =	dma.local @!p0 [hbm:s0], s1  }
0x61: {  	s0 =	simm.s32 @!p0 $0x1  }
0x62: {  	_ =	swait.ge @!p0 [sflag:s0], s1  }
0x63: {  	s1 =	ssub.s32 @!p0 $0x0, s1;
	[sflag:s0] =	ssyncset.done @!p0 $0x0  }
0x64: {  	[sflag:s0] =	ssyncadd.s32 @!p0 s1  }
0x65: {  	[bflag:$0x3] =	sbarrier.arrive $0xFFFF  }
0x66: {  	_ =	shalt  }

// kernel: sparse-core-data-format-call.cloned.1.call-start
scs
called_computation_lowered:
.L_overlay_start_0:
0x0: {  	s2 =	sld [smem:$0x3FD9]  }
0x1: {  	s3 =	sld [smem:$0x3FFE];
	_ =	sdelay $0x1  }
0x2: {  	s1 =	srdreg.scid  }
0x3: {  	s0 =	sand.u32 $0x1, s1  }
0x4: {  	s18 =	sshll.u32 s0, $0xA;
	s2 =	sadd.s32 s3, s2  }
0x5: {  	s2 =	sadd.s32 s2, s18  }
0x6: {  	[smem:$0x3FC6] =	sst s2  }
0x7: {  	_ = 	snop  }
0x8: {  	s2 =	sld [smem:$0x3FD0];
	(tm) =	ssettm $0x1  }
0x9: {  	s19 =	sld [smem:$0x3FFB];
	_ =	sdelay $0x3  }
0xa: {  	_ =	strace s19  }
0xb: {  	s3 =	sld [smem:$0x3FFC];
	_ =	sdelay $0x3  }
0xc: {  	_ =	strace s3  }
0xd: {  	s3 =	sld [smem:$0x3FFD];
	_ =	sdelay $0x3  }
0xe: {  	_ =	strace s3  }
0xf: {  	_ =	strace $0x8FFFFFFF  }
0x10: {  	s20 =	sld [smem:$0x3FDB];
	_ =	sdelay $0x1  }
0x11: {  	s4 =	simm.s32 $_scs_section_size  }
0x12: {  	s5 =	simm.s32 $_size__tile_overlayer_lowered;
	s6 =	simm.s32 $_tile_overlayer_lowered  }
0x13: {  	s23 =	simm.s32 $0x1BFF;
	s22 =	sshll.u32 s6, $0x1;
	s3 =	sadd.s32 s4, s20  }
0x14: {  	s7 =	simm.s32 $0x0;
	s21 =	sshll.u32 s5, $0x1;
	s5 =	sadd.s32 s22, s3  }
0x15: {  	[timem:s7], [sflag:s23] =	dma.local [hbm:s5], s21  }
0x16: {  	_ =	swait.ge [sflag:s23], s21  }
0x17: {  	s4 =	ssub.s32 $0x0, s21;
	[sflag:s23] =	ssyncset.done $0x0  }
0x18: {  	[sflag:s23] =	ssyncadd.s32 s4;
	_ =	sdelay $0x1  }
0x19: {  	s24 =	simm.s32 $0x1B8B  }
0x1a: {  	_ =	swait.ge [sflag:s24], $0x1  }
0x1b: {  	[sflag:s24] =	ssyncset.done $0x0  }
0x1c: {  	s26 =	simm.s32 $0x1B8E;
	s25 =	sld [smem:$0x3FFE];
	[sflag:s24] =	ssyncadd.s32 $0xFFFFFFFF  }
0x1d: {  	s27 =	simm.s32 $execute0_lowered;
	[smem:$0x3FD2] =	sst s26  }
0x1e: {  	s5 =	sshll.u32 s27, $0x1;
	_ =	strace $0x8000004F;
	[dreg:$0x1] =	wrdreg $0xFFFFFFFF  }
0x1f: {  	s28 =	simm.s32 $_size_execute0_lowered;
	s3 =	sadd.s32 s3, s5;
	[dreg:$0x0] =	wrdreg $0x0  }
0x20: {  	s5 =	sshll.u32 s28, $0x1;
	[dreg:$0x2] =	wrdreg s3  }
0x21: {  	[dreg:$0x3] =	wrdreg s5  }
0x22: {  	[dreg:$0x4] =	wrdreg $0xC0  }
0x23: {  	_ =	task [dreg:s7], $0x5FFFF  }
0x24: {  	[dreg:$0x1] =	wrdreg $0xFFFFFFFF  }
0x25: {  	[dreg:$0x0] =	wrdreg $0x60  }
0x26: {  	[dreg:$0x2] =	wrdreg s25  }
0x27: {  	[dreg:$0x3] =	wrdreg s2  }
0x28: {  	[dreg:$0x4] =	wrdreg $0x9  }
0x29: {  	_ =	task.clear_ibuf [dreg:s7], $0x5FFFF;
	_ =	strace $0x9000004F  }
0x2a: {  	s29 =	simm.s32 $0x9;
	_ =	strace $0x80000051  }
0x2b: {  	_ =	swait.ge [sflag:s29], $0x1  }
0x2c: {  	[sflag:s29] =	ssyncadd.s32 $0xFFFFFFFF  }
0x2d: {  	_ =	strace $0x90000051  }
0x2e: {  	_ =	sfence  }
0x2f: {  	s30 =	sld [smem:$0x0];
	_ =	sdelay $0x2  }
0x30: {  	s31 =	sshll.u32 s1, $0xD;
	s1 =	sshrl.u32 s1, $0x2  }
0x31: {  	s3 =	sand.u32 $0x4000, s31;
	s1 =	sadd.s32 s1, s30  }
0x32: {  	s0 =	sor.u32 s3, s0;
	s1 =	sshll.u32 s1, $0x11  }
0x33: {  	s0 =	sor.u32 s1, s0  }
0x34: {  	s0 =	sadd.s32 $0x8F2B, s0  }
0x35: {  	[sflag:s0] =	ssyncadd.remote.s32 $0x1  }
0x36: {  	_ =	sfence.sel $0xFFFF  }
0x37: {  	[dreg:$0x0] =	wrdreg $0xFFFFFFFF;
	(pc) =	sbr.abs _section_cstart, $3  }
0x38: {  	[dreg:$0x1] =	wrdreg $0xFFFFFFFF  }
0x39: {  	_ =	task.clear_ibuf [dreg:s7], $0x2FFFF;
	_ =	strace $0x9FFFFFFF  }
0x3a: {  	(tm) =	ssettm $0x7FFFFFFF  }
0x3b: {  	_ =	shalt  }
tec
execute0_lowered:
.L_overlay_start_1:
0x0: {  	(tag) =	ssettag $0x1  }
0x1: {  	s5 =	rddreg [dreg:$0x0]  }
0x2: {  	s0 =	srdreg.scid;
	s3 =	rddreg [dreg:$0x1];
	s7 =	simm.s32 $0x1  }
0x3: {  	s8 =	simm.s32 $0x2;
	s18 =	simm.s32 $0x0;
	s1 =	sshll.u32 s0, $0x4  }
0x4: {  	s17 =	simm.s32 $0x0;
	s0 =	stileid.u32;
	s1 =	sand.u32 $0x10, s1  }
0x5: {  	s16 =	simm.s32 $0x0;
	s9 =	simm.s32 $0x0;
	s1 =	sor.u32 s0, s1  }
0x6: {  	s10 =	simm.s32 $0x0;
	s11 =	simm.s32 $0x0;
	s2 =	sshll.u32 s1, $0x7  }
0x7: {  	s12 =	simm.s32 $0x0;
	s13 =	simm.s32 $0x0;
	s6 =	ssub.s32 $0x1000, s2  }
0x8: {  	s15 =	simm.s32 $0x0;
	s5 =	sadd.s32 $0x401400, s5;
	s4 =	sand.u32 $0xF80, s6  }
.Ltmp0:
0x9: {  	s1 =	rddreg [dreg:$0x2];
	p0 =	sne.s32 s4, $0x0;
	(pc) =	sbr.rel .LBB1_1-.Ltmp0, $4  }
0xa: {  	_ =	strace $0x80000050;
	s6 =	sshrl.u32 s6, $0xC;
	s7 =	simm.s32 @!p0 $0x0  }
0xb: {  	s14 =	smov.u32 s2;
	s4 =	simm.s32 $0x1;
	s6 =	sadd.s32 s7, s6  }
0xc: {  	[sflag:s4] =	ssyncpa.u1 $0x0;
	p0 =	por $0x0, $0x0;
	s6 =	sshll.u32 s6, $0x7  }
0xd: {  	[sflag:s8] =	ssyncpa.u1 $0x0;
	s8 =	simm.s32 $0x40000;
	s7 =	sor.u32 $0x1, s6  }
.LBB1_4:
0xe: {  	s23 =	sshra.s32 s23, $0x2;
	s24 =	sshll.u32 s11, $0x3  }
0xf: {  	s28 =	sand.u32 $0x78, s11;
	p2 =	sgt.s32 s10, $0x3F;
	s26 =	sshra.s32 s10, $0x1F  }
0x10: {  	p1 =	sgt.s32 s9, $0x48;
	s27 =	sshra.s32 s11, $0x1F;
	s25 =	sand.u32 $0xC00, s24  }
0x11: {  	s22 =	sadd.s32 s23, s22;
	s23 =	sor.u32 s28, s25;
	s25 =	smov.u32 s10  }
0x12: {  	s29 =	sshra.s32 s9, $0x1F;
	s26 =	sand.u32 s26, s10;
	s25 =	simm.s32 @!p2 $0x3F  }
0x13: {  	p2 =	sgt.s32 s11, $0xF80;
	s25 =	ssub.s32 s25, s26;
	s26 =	smov.u32 s11  }
0x14: {  	s27 =	sand.u32 s27, s11;
	s28 =	sadd.s32 $0xFFFFFFC1, s25;
	s26 =	simm.s32 @!p2 $0xF80  }
0x15: {  	v5 =	vld [tilespmem:s20+$0xFFFFFFD0];
	[tilespmem:s21+$0x2040 ss:$0x81] =	vst.msk $0xffff, v4;
	s25 =	ssub.s32 $0x40, s25;
	p2 =	sgt.s32 s28, $0x0;
	s28 =	smov.u32 s9  }
0x16: {  	v58 =	vld [tilespmem:s20+$0xFFFFFFE0];
	[tilespmem:s21+$0x2850 ss:$0x81] =	vst.msk $0xffff, v3;
	s26 =	ssub.s32 s26, s27;
	s27 =	sand.u32 s29, s9;
	s29 =	sshll.u32 s10, $0x7  }
0x17: {  	v59 =	vld [tilespmem:s20+$0xFFFFFFF0];
	[tilespmem:s21+$0x3060 ss:$0x81] =	vst.msk $0xffff, v2;
	s28 =	simm.s32 @!p1 $0x48;
	s25 =	simm.s32 @p2 $0x0;
	s30 =	sadd.s32 $0xFFFFF080, s26  }
0x18: {  	[tilespmem:s21+$0x0 ss:$0x81] =	vst.msk $0xffff, v1;
	v60 =	vld [tilespmem:s20+$0x0];
	s26 =	ssub.s32 $0x1000, s26;
	s27 =	ssub.s32 s28, s27;
	p1 =	sgt.s32 s30, $0x7F  }
0x19: {  	v61 =	vld [tilespmem:s20+$0x10];
	[tilespmem:s22+$0x3870 ss:$0x81] =	vst.msk $0xffff, v0;
	s28 =	sshll.u32 s10, $0xC;
	s30 =	sand.u32 $0x3FC00, s24;
	s31 =	sadd.s32 $0xFFFFFFB8, s27  }
0x1a: {  	v62 =	vld [tilespmem:s20+$0x20];
	[tilespmem:s22+$0x810 ss:$0x81] =	vst.msk $0xffff, v5;
	s26 =	simm.s32 @p1 $0x0;
	s21 =	sand.u32 $0x38000, s28;
	s28 =	sand.u32 $0x7, s11  }
0x1b: {  	v63 =	vld [tilespmem:s20+$0xFFFFFFC0];
	[tilespmem:s22+$0x1020 ss:$0x81] =	vst.msk $0xffff, v58;
	p1 =	sgt.s32 s31, $0x7F;
	s25 =	smul.u32 s26, s25;
	s31 =	sand.u32 $0x380, s29  }
0x1c: {  	[tilespmem:s22+$0x1830 ss:$0x81] =	vst.msk $0xffff, v59;
	s26 =	ssub.s32 $0xC8, s27;
	s20 =	sadd.s32 s30, s21;
	s27 =	sshll.u32 s9, $0xF  }
0x1d: {  	[tilespmem:s22+$0x2040 ss:$0x81] =	vst.msk $0xffff, v60;
	s23 =	sor.u32 s31, s23;
	s26 =	simm.s32 @p1 $0x0;
	s20 =	sshrl.u32 s20, $0x3  }
0x1e: {  	[tilespmem:s22+$0x2850 ss:$0x81] =	vst.msk $0xffff, v61;
	s24 =	sadd.s32 s3, s27;
	s26 =	smul.u32 s26, s25;
	s20 =	sand.u32 $0x7E00, s20  }
0x1f: {  	[tilespmem:s22+$0x3060 ss:$0x81] =	vst.msk $0xffff, v62;
	s29 =	sshll.u32 s28, $0x12;
	s21 =	sshrl.u32 s23, $0x3;
	s20 =	sadd.s32 s20, s24  }
0x20: {  	[tilespmem:s22+$0x0 ss:$0x81] =	vst.msk $0xffff, v63;
	s31 =	sor.u32 $0x80, s29;
	s30 =	sand.u32 $0x3FFFFFFF, s26;
	s20 =	sadd.s32 s21, s20  }
0x21: {  	[hbm4b:s20+s31] =	stream.strided.scatter [tilespmem:s19], [sflag:$0x2], s30, s8, s31, $0x20;
	[tilespmem:$0x10100] =	vst v63  }
.LBB1_5:
0x22: {  	p1 =	slt.u32 s15, $0x2  }
0x23: {  	p2 =	sgt.s32 @!p1 s18, $0x48  }
0x24: {  	s19 =	smov.u32 s18;
	s20 =	sshra.s32 @!p1 s18, $0x1F;
	p2 =	por !p2, p1  }
0x25: {  	s18 =	sand.u32 @!p1 s20, s18;
	s19 =	simm.s32 @p2 $0x48  }
0x26: {  	s20 =	sshra.s32 @!p1 s17, $0x1F;
	p2 =	sgt.s32 @!p1 s17, $0x3F;
	s18 =	ssub.s32 @!p1 s19, s18  }
0x27: {  	p2 =	por !p2, p1;
	s19 =	smov.u32 s17;
	s17 =	sand.u32 @!p1 s20, s17  }
0x28: {  	s20 =	sshra.s32 @!p1 s16, $0x1F;
	s19 =	simm.s32 @p2 $0x3F;
	p2 =	sgt.s32 @!p1 s16, $0xF80  }
0x29: {  	s17 =	ssub.s32 @!p1 s19, s17;
	p2 =	por !p2, p1;
	s19 =	smov.u32 s16  }
0x2a: {  	s16 =	sand.u32 @!p1 s20, s16;
	s20 =	sadd.s32 @!p1 $0xFFFFFFC1, s17;
	s19 =	simm.s32 @p2 $0xF80  }
0x2b: {  	p2 =	sgt.s32 @!p1 s20, $0x0;
	s16 =	ssub.s32 @!p1 s19, s16  }
0x2c: {  	s17 =	ssub.s32 @!p1 $0x40, s17;
	p2 =	por !p2, p1;
	s19 =	sadd.s32 @!p1 $0xFFFFF080, s16  }
0x2d: {  	s17 =	simm.s32 @!p2 $0x0;
	p2 =	sgt.s32 @!p1 s19, $0x7F  }
0x2e: {  	s21 =	smov.u32 s14;
	s16 =	ssub.s32 @!p1 $0x1000, s16;
	p2 =	por !p2, p1  }
0x2f: {  	s20 =	sadd.s32 @!p1 $0xFFFFFFB8, s18;
	s19 =	sadd.s32 $0x80, s12;
	s16 =	simm.s32 @!p2 $0x0  }
0x30: {  	p2 =	sgt.s32 s19, $0xC7;
	s16 =	smul.u32 @!p1 s16, s17;
	s17 =	simm.s32 $0x1  }
0x31: {  	p0 =	por !p0, !p0;
	p3 =	sgt.s32 @!p1 s20, $0x7F;
	s17 =	simm.s32 @!p2 $0x0  }
0x32: {  	s18 =	ssub.s32 @!p1 $0xC8, s18;
	p3 =	por !p3, p1;
	s20 =	sadd.s32 s17, s13  }
0x33: {  	s18 =	simm.s32 @!p3 $0x0;
	s17 =	sadd.s32 $0x1000, s14;
	p3 =	sgt.s32 s20, $0x3F  }
0x34: {  	s22 =	simm.s32 @!p1 $0x2;
	s19 =	simm.s32 @p2 $0x0;
	s21 =	smov.u32 @p3 s17  }
0x35: {  	s16 =	smul.u32 @!p1 s18, s16;
	s18 =	smov.u32 s9;
	p2 =	sgt.s32 s21, $0xFFF  }
0x36: {  	s9 =	smov.u32 s12;
	s21 =	smov.u32 @p2 s2;
	p2 =	sne.s32 s15, s7  }
.Ltmp1:
0x37: {  	s12 =	smov.u32 s19;
	s16 =	sand.u32 @!p1 $0x3FFFFFFF, s16;
	(pc) =	sbr.rel @!p2 .LBB1_6-.Ltmp1, $4  }
0x38: {  	s20 =	simm.s32 @p3 $0x0;
	s17 =	smov.u32 s10;
	s10 =	smov.u32 s13  }
0x39: {  	_ =	swait.ge @!p1 [sflag:s22], s16;
	s23 =	ssub.s32 @!p1 $0x0, s16;
	s16 =	smov.u32 s11  }
0x3a: {  	s11 =	smov.u32 s14;
	s13 =	smov.u32 s20;
	[sflag:s22] =	ssyncset.done @!p1 $0x0  }
0x3b: {  	s15 =	sadd.s32 $0x1, s15;
	[sflag:s22] =	ssyncadd.s32 @!p1 s23;
	s14 =	smov.u32 s21  }
.LBB1_1:
0x3c: {  	p1 =	sge.u32 s15, s6  }
0x3d: {  	s31 =	sadd.s32 $0xFFFFFFFF, s15;
	s19 =	sxor.u32 @!p1 $0xFFFFFFFF, s15  }
0x3e: {  	s20 =	sshll.u32 @!p1 s13, $0x8;
	s21 =	sshll.u32 @!p1 s12, $0x3;
	s22 =	sshll.u32 @!p1 s13, $0x7  }
0x3f: {  	s23 =	sand.u32 @!p1 $0x78, s12;
	s20 =	sand.u32 @!p1 $0x3800, s20;
	s21 =	sand.u32 @!p1 $0x3C00, s21  }
0x40: {  	s19 =	sshll.u32 @!p1 s19, $0xE;
	s20 =	sadd.s32 @!p1 s20, s21;
	s21 =	sand.u32 @!p1 $0x300, s22  }
0x41: {  	s19 =	sand.u32 @!p1 $0x4000, s19;
	s20 =	sor.u32 @!p1 s21, s20;
	s21 =	sand.u32 @!p1 $0x80, s22  }
0x42: {  	s22 =	sshll.u32 @!p1 s14, $0xB;
	s21 =	sor.u32 @!p1 s23, s21;
	s20 =	sshrl.u32 @!p1 s20, $0x3  }
0x43: {  	s22 =	sadd.s32 @!p1 s5, s22;
	s23 =	sand.u32 @!p1 $0x7, s12;
	s21 =	sshrl.u32 @!p1 s21, $0x3  }
0x44: {  	s20 =	sand.u32 @!p1 $0x7E0, s20;
	s21 =	sadd.s32 @!p1 s21, s22;
	s22 =	sshll.u32 @!p1 s23, $0x12  }
0x45: {  	s20 =	sadd.s32 @!p1 s20, s21;
	s21 =	sor.u32 @!p1 $0x80, s22;
	s22 =	simm.s32 @!p1 $0x4000  }
0x46: {  	[tilespmem:s19], [sflag:$0x1] =	stream.strided.gather @!p1 [hbm4b:s20+s21], $0x4000, s22, s21, $0x38;
	[tilespmem:$0x10100] =	vst v63  }
0x47: {  	p1 =	sge.u32 s31, s6  }
.Ltmp2:
0x48: {  	_ = 	snop;
	(pc) =	sbr.rel @p1 .LBB1_5-.Ltmp2, $1  }
0x49: {  	_ =	sdelay $0x3  }
0x4a: {  	s19 =	simm.s32 $0x1  }
0x4b: {  	_ =	swait.ge [sflag:s4], $0x4000;
	s19 =	simm.s32 @!p0 $0x0  }
0x4c: {  	[sflag:s4] =	ssyncset.done $0x0;
	s20 =	sshll.u32 s19, $0xE  }
0x4d: {  	[sflag:s4] =	ssyncadd.s32 $0xFFFFC000;
	s20 =	sor.u32 $0x40, s20  }
0x4e: {  	s19 =	smul.u32 $0x10200, s19;
	v0 =	vld [tilespmem:s20+$0x30]  }
0x4f: {  	v1 =	vld [tilespmem:s20+$0xFFFFFFD0]  }
0x50: {  	s19 =	sshrl.u32 s19, $0x2;
	v5 =	vld [tilespmem:s20+$0xFFFFFFE0]  }
0x51: {  	v6 =	vld [tilespmem:s20+$0xFFFFFFF0];
	s22 =	sor.u32 $0x8000, s19  }
0x52: {  	s31 =	sand.u32 $0x1, s15;
	v4 =	vld [tilespmem:s20+$0x0];
	s21 =	sadd.s32 $0x0, s22  }
0x53: {  	v3 =	vld [tilespmem:s20+$0x10];
	s19 =	smul.u32 $0x10200, s31;
	[tilespmem:s21+$0x3870 ss:$0x81] =	vst.msk $0xffff, v0  }
0x54: {  	v2 =	vld [tilespmem:s20+$0x20];
	[tilespmem:s21+$0x810 ss:$0x81] =	vst.msk $0xffff, v1  }
0x55: {  	s19 =	sshrl.u32 s19, $0x2;
	v1 =	vld [tilespmem:s20+$0xFFFFFFC0];
	[tilespmem:s21+$0x1020 ss:$0x81] =	vst.msk $0xffff, v5;
	s20 =	sadd.s32 $0x80, s20  }
0x56: {  	s23 =	simm.s32 $0x4;
	s24 =	simm.s32 $0x8;
	s19 =	sor.u32 $0x8000, s19;
	[tilespmem:s21+$0x1830 ss:$0x81] =	vst.msk $0xffff, v6;
	v0 =	vld [tilespmem:s20+$0x30]  }
.LBB1_3:
0x57: {  	p1 =	sne.s32 s24, $0x1FC;
	v5 =	vld [tilespmem:s20+$0xFFFFFFD0];
	[tilespmem:s21+$0x2040 ss:$0x81] =	vst.msk $0xffff, v4  }
0x58: {  	v6 =	vld [tilespmem:s20+$0xFFFFFFE0];
	[tilespmem:s21+$0x2850 ss:$0x81] =	vst.msk $0xffff, v3  }
0x59: {  	s25 =	sshra.s32 s23, $0x2;
	s23 =	smov.u32 s24;
	v7 =	vld [tilespmem:s20+$0xFFFFFFF0];
	[tilespmem:s21+$0x3060 ss:$0x81] =	vst.msk $0xffff, v2  }
.Ltmp3:
0x5a: {  	v4 =	vld [tilespmem:s20+$0x0];
	[tilespmem:s21+$0x0 ss:$0x81] =	vst.msk $0xffff, v1;
	s21 =	sadd.s32 s25, s22;
	(pc) =	sbr.rel @p1 .LBB1_3-.Ltmp3, $4  }
0x5b: {  	v3 =	vld [tilespmem:s20+$0x10];
	[tilespmem:s21+$0x3870 ss:$0x81] =	vst.msk $0xffff, v0  }
0x5c: {  	[tilespmem:s21+$0x810 ss:$0x81] =	vst.msk $0xffff, v5;
	v2 =	vld [tilespmem:s20+$0x20]  }
0x5d: {  	v1 =	vld [tilespmem:s20+$0xFFFFFFC0];
	[tilespmem:s21+$0x1020 ss:$0x81] =	vst.msk $0xffff, v6;
	s20 =	sadd.s32 $0x80, s20  }
0x5e: {  	s24 =	sadd.s32 $0x4, s24;
	v0 =	vld [tilespmem:s20+$0x30];
	[tilespmem:s21+$0x1830 ss:$0x81] =	vst.msk $0xffff, v7  }
.Ltmp4:
0x5f: {  	_ = 	snop;
	(pc) =	sbr.rel .LBB1_4-.Ltmp4, $1  }
0x60: {  	_ =	sdelay $0x3  }
.LBB1_6:
0x61: {  	_ =	sfence.sel $0x180000  }
0x62: {  	s2 =	simm.s32 $0x1;
	[bflag:$0x0] =	sbarrier.arrive $0xFFFF  }
0x63: {  	s31 =	simm.s32 $0x2;
	[sflag:s2] =	ssyncpa.u1 $0x1  }
0x64: {  	[sflag:s31] =	ssyncpa.u1 $0x1  }
0x65: {  	p0 =	sne.s32 s0, $0x0;
	_ =	strace $0x90000050  }
0x66: {  	s0 =	sadd.s32 @!p0 $0x100000, s1;
	[bflag:$0x2] =	sbarrier.arrive $0xFFFF  }
0x67: {  	[sflag:s0] =	ssyncadd.tile.s32 @!p0 $0x1;
	_ =	shalt  }
.Lfunc_end1:
_tile_overlayer_lowered:
.L_overlay_start_2:
0x68: {  	(tag) =	ssettag $0x2  }
0x69: {  	s0 =	rddreg [dreg:$0x0];
	s2 =	stileid.u32  }
0x6a: {  	s1 =	rddreg [dreg:$0x1];
	p0 =	sne.s32 s2, $0x0  }
0x6b: {  	s3 =	rddreg [dreg:$0x2];
	[bflag:$0x3] =	sbarrier.arrive $0xFFFF;
	s2 =	simm.s32 @!p0 $0x1C01  }
0x6c: {  	[timem:s3], [sflag:s2] =	dma.local @!p0 [hbm:s0], s1  }
0x6d: {  	s0 =	simm.s32 @!p0 $0x1  }
0x6e: {  	_ =	swait.ge @!p0 [sflag:s0], s1  }
0x6f: {  	s1 =	ssub.s32 @!p0 $0x0, s1;
	[sflag:s0] =	ssyncset.done @!p0 $0x0  }
0x70: {  	[sflag:s0] =	ssyncadd.s32 @!p0 s1  }
0x71: {  	[bflag:$0x3] =	sbarrier.arrive $0xFFFF  }
0x72: {  	_ =	shalt  }

</sc_bundles>
